<compile_context>
chip_gen: v7x
topology: tpu7x:2x2x1
jax: 0.10.2.dev20260603
libtpu: 0.0.44.dev20260713+nightly
codegen_flags: <defaults>
</compile_context>

<pallas_src>
import functools

import jax
import jax.numpy as jnp
from jax import lax
from jax.experimental import pallas as pl
from jax.experimental.pallas import tpu as pltpu
from jax.experimental.pallas import tpu_sc as plsc

N_NODES = 10000
N_PAD = 10240
D = 128
N_EDGES = 320000
CHUNK = 128
CHUNKS_PER_TILE = 79
NW = 32
E_PER_TILE = CHUNK * CHUNKS_PER_TILE
E_PAD = NW * E_PER_TILE
ROWS_PER_TILE = N_PAD // 16

_sc_mesh = plsc.VectorSubcoreMesh(core_axis_name="c", subcore_axis_name="s")


@functools.partial(
    pl.kernel,
    mesh=_sc_mesh,
    out_type=jax.ShapeDtypeStruct((2, N_PAD), jnp.float32),
    scratch_types=[
        pltpu.VMEM((CHUNK,), jnp.int32),
        pltpu.VMEM((CHUNK,), jnp.float32),
        pltpu.VMEM((ROWS_PER_TILE,), jnp.float32),
        pltpu.VMEM_SHARED((N_PAD,), jnp.float32),
    ],
)
def _deg_kernel(dst_hbm, out_hbm, didx, onesb, zbuf, acc):
    cid = lax.axis_index("c")
    sid = lax.axis_index("s")
    wid = sid * 2 + cid

    zeros16 = jnp.zeros((16,), jnp.float32)
    ones16 = jnp.ones((16,), jnp.float32)
    for j in range(CHUNK // 16):
        onesb[pl.ds(j * 16, 16)] = ones16

    def _zero(i, _):
        zbuf[pl.ds(i * 16, 16)] = zeros16
        return 0
    lax.fori_loop(0, ROWS_PER_TILE // 16, _zero, 0)
    pltpu.sync_copy(zbuf, acc.at[pl.ds(sid * ROWS_PER_TILE, ROWS_PER_TILE)])
    plsc.subcore_barrier()

    def _chunk(k, _):
        base = wid * E_PER_TILE + k * CHUNK
        pltpu.sync_copy(dst_hbm.at[pl.ds(base, CHUNK)], didx)
        pltpu.sync_copy(onesb, acc.at[didx], add=True)
        return 0
    lax.fori_loop(0, CHUNKS_PER_TILE, _chunk, 0)
    plsc.subcore_barrier()

    r0 = sid * ROWS_PER_TILE
    pltpu.sync_copy(acc.at[pl.ds(r0, ROWS_PER_TILE)],
                    out_hbm.at[cid, pl.ds(r0, ROWS_PER_TILE)])


@functools.partial(
    pl.kernel,
    mesh=_sc_mesh,
    out_type=jax.ShapeDtypeStruct((2, N_PAD, D), jnp.float32),
    scratch_types=[
        pltpu.VMEM((CHUNK,), jnp.int32),
        pltpu.VMEM((CHUNK,), jnp.int32),
        pltpu.VMEM((CHUNK, D), jnp.float32),
        pltpu.VMEM((8, D), jnp.float32),
        pltpu.VMEM_SHARED((N_PAD, D), jnp.float32),
        pltpu.SemaphoreType.DMA,
    ],
)
def _edge_kernel(src_hbm, dst_hbm, y_hbm, out_hbm, sidx, didx, rows, zbuf,
                 acc, sem):
    cid = lax.axis_index("c")
    sid = lax.axis_index("s")
    wid = sid * 2 + cid

    zeros16 = jnp.zeros((16,), jnp.float32)
    for r in range(8):
        for j in range(D // 16):
            zbuf[r, pl.ds(j * 16, 16)] = zeros16

    def _zrow(k, _):
        pltpu.sync_copy(zbuf, acc.at[pl.ds(sid * ROWS_PER_TILE + k * 8, 8)])
        return 0
    lax.fori_loop(0, ROWS_PER_TILE // 8, _zrow, 0)
    plsc.subcore_barrier()

    def _chunk(k, _):
        base = wid * E_PER_TILE + k * CHUNK
        pltpu.sync_copy(src_hbm.at[pl.ds(base, CHUNK)], sidx)
        pltpu.sync_copy(dst_hbm.at[pl.ds(base, CHUNK)], didx)
        pltpu.async_copy(y_hbm.at[sidx], rows, sem).wait()
        pltpu.sync_copy(rows, acc.at[didx], add=True)
        return 0
    lax.fori_loop(0, CHUNKS_PER_TILE, _chunk, 0)
    plsc.subcore_barrier()

    r0 = sid * ROWS_PER_TILE
    pltpu.sync_copy(acc.at[pl.ds(r0, ROWS_PER_TILE)],
                    out_hbm.at[cid, pl.ds(r0, ROWS_PER_TILE)])


def _prep_body(hist_ref, x_ref, w1_ref, y1_ref, dinv_ref):
    hist = hist_ref[...]
    deg = lax.dot_general(hist, jnp.ones((2, 1), jnp.float32),
                          (((0,), (0,)), ((), ())),
                          preferred_element_type=jnp.float32) + 1.0
    dinv = lax.rsqrt(deg)
    xw = jnp.dot(x_ref[...], w1_ref[...], preferred_element_type=jnp.float32)
    y1_ref[...] = xw * dinv
    dinv_ref[...] = dinv


def _mid_body(p_ref, y1_ref, dinv_ref, w2_ref, b1_ref, y2_ref):
    dinv = dinv_ref[...]
    s = p_ref[0] + p_ref[1] + y1_ref[...]
    h = jnp.maximum(s * dinv + b1_ref[...][None, :], 0.0)
    y2_ref[...] = jnp.dot(h, w2_ref[...],
                          preferred_element_type=jnp.float32) * dinv


def _fin_body(q_ref, y2_ref, dinv_ref, b2_ref, out_ref):
    s = q_ref[0] + q_ref[1] + y2_ref[...]
    res = s * dinv_ref[...] + b2_ref[...][None, :]
    out_ref[...] = res[:N_NODES, :]


def kernel(x, edge_index, W1, b1, W2, b2):
    src = edge_index[0].astype(jnp.int32)
    dst = edge_index[1].astype(jnp.int32)
    npad = E_PAD - N_EDGES
    src_pad = jnp.concatenate([src, jnp.zeros((npad,), jnp.int32)])
    dst_pad = jnp.concatenate(
        [dst, jnp.full((npad,), N_NODES, jnp.int32)])
    x_pad = jnp.pad(x.astype(jnp.float32), ((0, N_PAD - N_NODES), (0, 0)))

    hist = _deg_kernel(dst_pad)

    y1, dinv = pl.pallas_call(
        _prep_body,
        out_shape=(jax.ShapeDtypeStruct((N_PAD, D), jnp.float32),
                   jax.ShapeDtypeStruct((N_PAD, 1), jnp.float32)),
    )(hist, x_pad, W1)

    p = _edge_kernel(src_pad, dst_pad, y1)

    y2 = pl.pallas_call(
        _mid_body,
        out_shape=jax.ShapeDtypeStruct((N_PAD, D), jnp.float32),
    )(p, y1, dinv, W2, b1)

    q = _edge_kernel(src_pad, dst_pad, y2)

    out = pl.pallas_call(
        _fin_body,
        out_shape=jax.ShapeDtypeStruct((N_NODES, D), jnp.float32),
    )(q, y2, dinv, b2)
    return out

# --- scband reference (transcript-rebuilt; emitter-appended) ---
"""Pipeline reference for scband-gcnencoder-31593779429472 (READ-ONLY COPY).

The authoritative reference and input builder live on the scoring server;
editing this copy changes nothing except your own understanding.
"""

import jax, jax.numpy as jnp
import numpy as np

N_NODES = 10000
N_EDGES = 320000
D_IN = 128
D_HID = 128
D_OUT = 128


def _gcn_conv(x, src, dst, W, b):
    # PyG GCNConv: add self-loops, symmetric normalization D^-1/2 (A+I) D^-1/2 X W + b
    N = x.shape[0]
    deg = jnp.zeros((N,), dtype=x.dtype).at[dst].add(1.0)
    dinv = jnp.where(deg > 0, deg ** -0.5, 0.0)
    norm = dinv[src] * dinv[dst]
    xw = x @ W
    msg = xw[src] * norm[:, None]
    out = jnp.zeros((N, W.shape[1]), dtype=x.dtype).at[dst].add(msg)
    return out + b


def setup_inputs(seed: int = 0) -> dict:
    key = jax.random.key(seed)
    k1, k2, k3, k4, k5, k6 = jax.random.split(key, 6)
    x = jax.random.normal(k1, (N_NODES, D_IN), dtype=jnp.float32)
    edge_index = jax.random.randint(k2, (2, N_EDGES), 0, N_NODES, dtype=jnp.int64)
    # Glorot-style init for weights
    W1 = jax.random.normal(k3, (D_IN, D_HID), dtype=jnp.float32) * (1.0 / np.sqrt(D_IN))
    b1 = jnp.zeros((D_HID,), dtype=jnp.float32)
    W2 = jax.random.normal(k4, (D_HID, D_OUT), dtype=jnp.float32) * (1.0 / np.sqrt(D_HID))
    b2 = jnp.zeros((D_OUT,), dtype=jnp.float32)
    return {"x": x, "edge_index": edge_index, "W1": W1, "b1": b1, "W2": W2, "b2": b2}


def reference(x, edge_index, W1, b1, W2, b2):
    N = x.shape[0]
    loop = jnp.arange(N, dtype=edge_index.dtype)
    src = jnp.concatenate([edge_index[0], loop])
    dst = jnp.concatenate([edge_index[1], loop])
    h = _gcn_conv(x, src, dst, W1, b1)
    h = jax.nn.relu(h)
    out = _gcn_conv(h, src, dst, W2, b2)
    return out

if __name__ == "__main__":
    import jax
    _d = setup_inputs()
    print(jax.jit(kernel)(*tuple(_d.values())))

</pallas_src>

<mosaic_0001>
#map = affine_map<(d0, d1) -> (0)>
#map1 = affine_map<(d0, d1) -> (0, 0)>
module attributes {stable_mosaic.version = 14 : i64} {
  func.func @_deg_kernel(%arg0: i32, %arg1: i32, %arg2: memref<323584xi32, #tpu.memory_space<hbm>>, %arg3: memref<2x10240xf32, #tpu.memory_space<hbm>>, %arg4: memref<128xi32, #tpu.memory_space<vmem>>, %arg5: memref<128xf32, #tpu.memory_space<vmem>>, %arg6: memref<640xf32, #tpu.memory_space<vmem>>, %arg7: memref<10240xf32, #tpu.memory_space<vmem_shared>>) attributes {dimension_semantics = [#tpu.dimension_semantics<core_parallel>, #tpu.dimension_semantics<subcore_parallel>], iteration_bounds = array<i64: 2, 16>, scalar_prefetch = 0 : i64, scratch_operands = 4 : i64, tpu.core_type = #tpu.core_type<sc_vector_subcore>, window_params = [{transform_indices = #map}, {transform_indices = #map1}]} {
    %mul3A = arith.constant 2 : i32
    %mul3A_0 = arith.muli %arg1, %mul3A : i32
    %add3A = arith.addi %mul3A_0, %arg0 : i32
    %broadcast_in_dim3A = arith.constant 0.000000e+00 : f32
    %broadcast_in_dim3A_1 = vector.broadcast %broadcast_in_dim3A : f32 to vector<16xf32>
    %broadcast_in_dim3A_2 = arith.constant 1.000000e+00 : f32
    %broadcast_in_dim3A_3 = vector.broadcast %broadcast_in_dim3A_2 : f32 to vector<16xf32>
    %swap3A = arith.constant 0 : index
    %swap3A_4 = tpu.vector_load %arg5[%swap3A] {strides = array<i32>} : memref<128xf32, #tpu.memory_space<vmem>>, vector<16xf32>,
    %swap3A_5 = vector.shape_cast %swap3A_4 : vector<16xf32> to vector<16xf32>
    %swap3A_6 = vector.shape_cast %broadcast_in_dim3A_3 : vector<16xf32> to vector<16xf32>
    tpu.vector_store %arg5[%swap3A], %swap3A_6 {strides = array<i32>} : memref<128xf32, #tpu.memory_space<vmem>>, vector<16xf32>,
    %swap3A_7 = arith.constant 16 : index
    %swap3A_8 = tpu.vector_load %arg5[%swap3A_7] {strides = array<i32>} : memref<128xf32, #tpu.memory_space<vmem>>, vector<16xf32>,
    %swap3A_9 = vector.shape_cast %swap3A_8 : vector<16xf32> to vector<16xf32>
    %swap3A_10 = vector.shape_cast %broadcast_in_dim3A_3 : vector<16xf32> to vector<16xf32>
    tpu.vector_store %arg5[%swap3A_7], %swap3A_10 {strides = array<i32>} : memref<128xf32, #tpu.memory_space<vmem>>, vector<16xf32>,
    %swap3A_11 = arith.constant 32 : index
    %swap3A_12 = tpu.vector_load %arg5[%swap3A_11] {strides = array<i32>} : memref<128xf32, #tpu.memory_space<vmem>>, vector<16xf32>,
    %swap3A_13 = vector.shape_cast %swap3A_12 : vector<16xf32> to vector<16xf32>
    %swap3A_14 = vector.shape_cast %broadcast_in_dim3A_3 : vector<16xf32> to vector<16xf32>
    tpu.vector_store %arg5[%swap3A_11], %swap3A_14 {strides = array<i32>} : memref<128xf32, #tpu.memory_space<vmem>>, vector<16xf32>,
    %swap3A_15 = arith.constant 48 : index
    %swap3A_16 = tpu.vector_load %arg5[%swap3A_15] {strides = array<i32>} : memref<128xf32, #tpu.memory_space<vmem>>, vector<16xf32>,
    %swap3A_17 = vector.shape_cast %swap3A_16 : vector<16xf32> to vector<16xf32>
    %swap3A_18 = vector.shape_cast %broadcast_in_dim3A_3 : vector<16xf32> to vector<16xf32>
    tpu.vector_store %arg5[%swap3A_15], %swap3A_18 {strides = array<i32>} : memref<128xf32, #tpu.memory_space<vmem>>, vector<16xf32>,
    %swap3A_19 = arith.constant 64 : index
    %swap3A_20 = tpu.vector_load %arg5[%swap3A_19] {strides = array<i32>} : memref<128xf32, #tpu.memory_space<vmem>>, vector<16xf32>,
    %swap3A_21 = vector.shape_cast %swap3A_20 : vector<16xf32> to vector<16xf32>
    %swap3A_22 = vector.shape_cast %broadcast_in_dim3A_3 : vector<16xf32> to vector<16xf32>
    tpu.vector_store %arg5[%swap3A_19], %swap3A_22 {strides = array<i32>} : memref<128xf32, #tpu.memory_space<vmem>>, vector<16xf32>,
    %swap3A_23 = arith.constant 80 : index
    %swap3A_24 = tpu.vector_load %arg5[%swap3A_23] {strides = array<i32>} : memref<128xf32, #tpu.memory_space<vmem>>, vector<16xf32>,
    %swap3A_25 = vector.shape_cast %swap3A_24 : vector<16xf32> to vector<16xf32>
    %swap3A_26 = vector.shape_cast %broadcast_in_dim3A_3 : vector<16xf32> to vector<16xf32>
    tpu.vector_store %arg5[%swap3A_23], %swap3A_26 {strides = array<i32>} : memref<128xf32, #tpu.memory_space<vmem>>, vector<16xf32>,
    %swap3A_27 = arith.constant 96 : index
    %swap3A_28 = tpu.vector_load %arg5[%swap3A_27] {strides = array<i32>} : memref<128xf32, #tpu.memory_space<vmem>>, vector<16xf32>,
    %swap3A_29 = vector.shape_cast %swap3A_28 : vector<16xf32> to vector<16xf32>
    %swap3A_30 = vector.shape_cast %broadcast_in_dim3A_3 : vector<16xf32> to vector<16xf32>
    tpu.vector_store %arg5[%swap3A_27], %swap3A_30 {strides = array<i32>} : memref<128xf32, #tpu.memory_space<vmem>>, vector<16xf32>,
    %swap3A_31 = arith.constant 112 : index
    %swap3A_32 = tpu.vector_load %arg5[%swap3A_31] {strides = array<i32>} : memref<128xf32, #tpu.memory_space<vmem>>, vector<16xf32>,
    %swap3A_33 = vector.shape_cast %swap3A_32 : vector<16xf32> to vector<16xf32>
    %swap3A_34 = vector.shape_cast %broadcast_in_dim3A_3 : vector<16xf32> to vector<16xf32>
    tpu.vector_store %arg5[%swap3A_31], %swap3A_34 {strides = array<i32>} : memref<128xf32, #tpu.memory_space<vmem>>, vector<16xf32>,
    %scan3A = arith.constant 0 : i32
    %scan3A_35 = arith.constant 0 : i32
    %scan3A_36 = arith.constant 40 : i32
    %scan3A_37 = arith.addi %scan3A_35, %scan3A_36 : i32
    %scan3A_38 = arith.constant 1 : i32
    %scan3A_39 = scf.for %scan3A_53 = %scan3A_35 to %scan3A_37 step %scan3A_38 iter_args(%scan3A_54 = %scan3A) -> (i32)  : i32 {
      %mul3A_55 = arith.constant 16 : i32
      %mul3A_56 = arith.muli %scan3A_53, %mul3A_55 : i32
      %swap3A_57 = arith.index_cast %mul3A_56 : i32 to index
      %swap3A_58 = tpu.vector_load %arg6[%swap3A_57] {strides = array<i32>} : memref<640xf32, #tpu.memory_space<vmem>>, vector<16xf32>,
      %swap3A_59 = vector.shape_cast %swap3A_58 : vector<16xf32> to vector<16xf32>
      %swap3A_60 = vector.shape_cast %broadcast_in_dim3A_1 : vector<16xf32> to vector<16xf32>
      tpu.vector_store %arg6[%swap3A_57], %swap3A_60 {strides = array<i32>} : memref<640xf32, #tpu.memory_space<vmem>>, vector<16xf32>,
      %scan3A_61 = arith.constant 0 : i32
      scf.yield %scan3A_61 : i32
    }
    %scan3A_40 = arith.constant 40 : i32
    %mul3A_41 = arith.constant 640 : i32
    %mul3A_42 = arith.muli %arg1, %mul3A_41 : i32
    "tpu.region"() ({
      %run_scoped3A = tpu.sem_alloc : memref<!tpu.dma_semaphore, #tpu.memory_space<semaphore_mem>>
      %dma_start3A = tpu.memref_slice %arg7[%mul3A_42] : memref<10240xf32, #tpu.memory_space<vmem_shared>> -> memref<640xf32, #tpu.memory_space<vmem_shared>>
      %dma_start3A_53 = tpu.memref_slice %arg7[%mul3A_42] : memref<10240xf32, #tpu.memory_space<vmem_shared>> -> memref<640xf32, #tpu.memory_space<vmem_shared>>
      tpu.enqueue_dma source(%arg6 : memref<640xf32, #tpu.memory_space<vmem>>) target(%dma_start3A_53 : memref<640xf32, #tpu.memory_space<vmem_shared>>) target_semaphore(%run_scoped3A : memref<!tpu.dma_semaphore, #tpu.memory_space<semaphore_mem>>)
      %dma_wait3A = tpu.memref_slice %arg7[%mul3A_42] : memref<10240xf32, #tpu.memory_space<vmem_shared>> -> memref<640xf32, #tpu.memory_space<vmem_shared>>
      %dma_wait3A_54 = tpu.memref_slice %arg7[%mul3A_42] : memref<10240xf32, #tpu.memory_space<vmem_shared>> -> memref<640xf32, #tpu.memory_space<vmem_shared>>
      tpu.wait_dma2 semaphore(%run_scoped3A : memref<!tpu.dma_semaphore, #tpu.memory_space<semaphore_mem>>) src(%arg6 : memref<640xf32, #tpu.memory_space<vmem>>) dst(%dma_wait3A_54 : memref<640xf32, #tpu.memory_space<vmem_shared>>)
      tpu.yield
    }) : () -> ()
    %barrier3A = arith.constant 0 : index
    tpu.barrier barrier_id(%barrier3A)
    %scan3A_43 = arith.constant 0 : i32
    %scan3A_44 = arith.constant 0 : i32
    %scan3A_45 = arith.constant 79 : i32
    %scan3A_46 = arith.addi %scan3A_44, %scan3A_45 : i32
    %scan3A_47 = arith.constant 1 : i32
    %scan3A_48 = scf.for %scan3A_53 = %scan3A_44 to %scan3A_46 step %scan3A_47 iter_args(%scan3A_54 = %scan3A_43) -> (i32)  : i32 {
      %mul3A_55 = arith.constant 10112 : i32
      %mul3A_56 = arith.muli %add3A, %mul3A_55 : i32
      %mul3A_57 = arith.constant 128 : i32
      %mul3A_58 = arith.muli %scan3A_53, %mul3A_57 : i32
      %add3A_59 = arith.addi %mul3A_56, %mul3A_58 : i32
      "tpu.region"() ({
        %run_scoped3A = tpu.sem_alloc : memref<!tpu.dma_semaphore, #tpu.memory_space<semaphore_mem>>
        %dma_start3A = tpu.memref_slice %arg2[%add3A_59] : memref<323584xi32, #tpu.memory_space<hbm>> -> memref<128xi32, #tpu.memory_space<hbm>>
        %dma_start3A_61 = tpu.memref_slice %arg2[%add3A_59] : memref<323584xi32, #tpu.memory_space<hbm>> -> memref<128xi32, #tpu.memory_space<hbm>>
        tpu.enqueue_dma source(%dma_start3A_61 : memref<128xi32, #tpu.memory_space<hbm>>) target(%arg4 : memref<128xi32, #tpu.memory_space<vmem>>) target_semaphore(%run_scoped3A : memref<!tpu.dma_semaphore, #tpu.memory_space<semaphore_mem>>)
        %dma_wait3A = tpu.memref_slice %arg2[%add3A_59] : memref<323584xi32, #tpu.memory_space<hbm>> -> memref<128xi32, #tpu.memory_space<hbm>>
        %dma_wait3A_62 = tpu.memref_slice %arg2[%add3A_59] : memref<323584xi32, #tpu.memory_space<hbm>> -> memref<128xi32, #tpu.memory_space<hbm>>
        tpu.wait_dma2 semaphore(%run_scoped3A : memref<!tpu.dma_semaphore, #tpu.memory_space<semaphore_mem>>) src(%dma_wait3A_62 : memref<128xi32, #tpu.memory_space<hbm>>) dst(%arg4 : memref<128xi32, #tpu.memory_space<vmem>>)
        tpu.yield
      }) : () -> ()
      "tpu.region"() ({
        %run_scoped3A = tpu.sem_alloc : memref<!tpu.dma_semaphore, #tpu.memory_space<semaphore_mem>>
        %dma_start3A = arith.constant 0 : i32
        %dma_start3A_61 = tpu.memref_slice %arg7[%dma_start3A] : memref<10240xf32, #tpu.memory_space<vmem_shared>> -> memref<10240xf32, #tpu.memory_space<vmem_shared>>
        tpu.enqueue_indirect_dma source(%arg5 : memref<128xf32, #tpu.memory_space<vmem>>) target(%dma_start3A_61 : memref<10240xf32, #tpu.memory_space<vmem_shared>>) offsets(%arg4 : memref<128xi32, #tpu.memory_space<vmem>>) semaphore(%run_scoped3A : memref<!tpu.dma_semaphore, #tpu.memory_space<semaphore_mem>>) {add = true}
        %dma_wait3A = arith.constant 0 : i32
        %dma_wait3A_62 = tpu.memref_slice %arg7[%dma_wait3A] : memref<10240xf32, #tpu.memory_space<vmem_shared>> -> memref<10240xf32, #tpu.memory_space<vmem_shared>>
        tpu.wait_indirect_dma semaphore(%run_scoped3A : memref<!tpu.dma_semaphore, #tpu.memory_space<semaphore_mem>>) src(%arg5 : memref<128xf32, #tpu.memory_space<vmem>>) dst(%dma_wait3A_62 : memref<10240xf32, #tpu.memory_space<vmem_shared>>)
        tpu.yield
      }) : () -> ()
      %scan3A_60 = arith.constant 0 : i32
      scf.yield %scan3A_60 : i32
    }
    %scan3A_49 = arith.constant 79 : i32
    %barrier3A_50 = arith.constant 0 : index
    tpu.barrier barrier_id(%barrier3A_50)
    %mul3A_51 = arith.constant 640 : i32
    %mul3A_52 = arith.muli %arg1, %mul3A_51 : i32
    "tpu.region"() ({
      %run_scoped3A = tpu.sem_alloc : memref<!tpu.dma_semaphore, #tpu.memory_space<semaphore_mem>>
      %dma_start3A = tpu.memref_slice %arg3[%arg0, %mul3A_52] : memref<2x10240xf32, #tpu.memory_space<hbm>> -> memref<1x640xf32, #tpu.memory_space<hbm>>
      %dma_start3A_53 = tpu.memref_squeeze %dma_start3A : memref<1x640xf32, #tpu.memory_space<hbm>> -> memref<640xf32, #tpu.memory_space<hbm>>
      %dma_start3A_54 = tpu.memref_slice %arg7[%mul3A_52] : memref<10240xf32, #tpu.memory_space<vmem_shared>> -> memref<640xf32, #tpu.memory_space<vmem_shared>>
      tpu.enqueue_dma source(%dma_start3A_54 : memref<640xf32, #tpu.memory_space<vmem_shared>>) target(%dma_start3A_53 : memref<640xf32, #tpu.memory_space<hbm>>) target_semaphore(%run_scoped3A : memref<!tpu.dma_semaphore, #tpu.memory_space<semaphore_mem>>)
      %dma_wait3A = tpu.memref_slice %arg3[%arg0, %mul3A_52] : memref<2x10240xf32, #tpu.memory_space<hbm>> -> memref<1x640xf32, #tpu.memory_space<hbm>>
      %dma_wait3A_55 = tpu.memref_squeeze %dma_wait3A : memref<1x640xf32, #tpu.memory_space<hbm>> -> memref<640xf32, #tpu.memory_space<hbm>>
      %dma_wait3A_56 = tpu.memref_slice %arg7[%mul3A_52] : memref<10240xf32, #tpu.memory_space<vmem_shared>> -> memref<640xf32, #tpu.memory_space<vmem_shared>>
      tpu.wait_dma2 semaphore(%run_scoped3A : memref<!tpu.dma_semaphore, #tpu.memory_space<semaphore_mem>>) src(%dma_wait3A_56 : memref<640xf32, #tpu.memory_space<vmem_shared>>) dst(%dma_wait3A_55 : memref<640xf32, #tpu.memory_space<hbm>>)
      tpu.yield
    }) : () -> ()
    return
  }
}

#map = affine_map<(d0, d1) -> (0)>
#map1 = affine_map<(d0, d1) -> (0, 0)>
#map2 = affine_map<(d0, d1) -> (0, 0, 0)>
module attributes {stable_mosaic.version = 14 : i64} {
  func.func @_edge_kernel(%arg0: i32, %arg1: i32, %arg2: memref<323584xi32, #tpu.memory_space<hbm>>, %arg3: memref<323584xi32, #tpu.memory_space<hbm>>, %arg4: memref<10240x128xf32, #tpu.memory_space<hbm>>, %arg5: memref<2x10240x128xf32, #tpu.memory_space<hbm>>, %arg6: memref<128xi32, #tpu.memory_space<vmem>>, %arg7: memref<128xi32, #tpu.memory_space<vmem>>, %arg8: memref<128x128xf32, #tpu.memory_space<vmem>>, %arg9: memref<8x128xf32, #tpu.memory_space<vmem>>, %arg10: memref<10240x128xf32, #tpu.memory_space<vmem_shared>>, %arg11: memref<!tpu.dma_semaphore, #tpu.memory_space<semaphore_mem>>) attributes {dimension_semantics = [#tpu.dimension_semantics<core_parallel>, #tpu.dimension_semantics<subcore_parallel>], iteration_bounds = array<i64: 2, 16>, scalar_prefetch = 0 : i64, scratch_operands = 6 : i64, tpu.core_type = #tpu.core_type<sc_vector_subcore>, window_params = [{transform_indices = #map}, {transform_indices = #map}, {transform_indices = #map1}, {transform_indices = #map2}]} {
    %mul3A = arith.constant 2 : i32
    %mul3A_0 = arith.muli %arg1, %mul3A : i32
    %add3A = arith.addi %mul3A_0, %arg0 : i32
    %broadcast_in_dim3A = arith.constant 0.000000e+00 : f32
    %broadcast_in_dim3A_1 = vector.broadcast %broadcast_in_dim3A : f32 to vector<16xf32>
    %swap3A = arith.constant 0 : i32
    %swap3A_2 = arith.index_cast %swap3A : i32 to index
    %swap3A_3 = arith.constant 0 : index
    %swap3A_4 = tpu.vector_load %arg9[%swap3A_2, %swap3A_3] {strides = array<i32>} : memref<8x128xf32, #tpu.memory_space<vmem>>, vector<1x16xf32>,
    %swap3A_5 = vector.shape_cast %swap3A_4 : vector<1x16xf32> to vector<16xf32>
    %swap3A_6 = vector.shape_cast %broadcast_in_dim3A_1 : vector<16xf32> to vector<1x16xf32>
    tpu.vector_store %arg9[%swap3A_2, %swap3A_3], %swap3A_6 {strides = array<i32>} : memref<8x128xf32, #tpu.memory_space<vmem>>, vector<1x16xf32>,
    %swap3A_7 = arith.constant 0 : i32
    %swap3A_8 = arith.index_cast %swap3A_7 : i32 to index
    %swap3A_9 = arith.constant 16 : index
    %swap3A_10 = tpu.vector_load %arg9[%swap3A_8, %swap3A_9] {strides = array<i32>} : memref<8x128xf32, #tpu.memory_space<vmem>>, vector<1x16xf32>,
    %swap3A_11 = vector.shape_cast %swap3A_10 : vector<1x16xf32> to vector<16xf32>
    %swap3A_12 = vector.shape_cast %broadcast_in_dim3A_1 : vector<16xf32> to vector<1x16xf32>
    tpu.vector_store %arg9[%swap3A_8, %swap3A_9], %swap3A_12 {strides = array<i32>} : memref<8x128xf32, #tpu.memory_space<vmem>>, vector<1x16xf32>,
    %swap3A_13 = arith.constant 0 : i32
    %swap3A_14 = arith.index_cast %swap3A_13 : i32 to index
    %swap3A_15 = arith.constant 32 : index
    %swap3A_16 = tpu.vector_load %arg9[%swap3A_14, %swap3A_15] {strides = array<i32>} : memref<8x128xf32, #tpu.memory_space<vmem>>, vector<1x16xf32>,
    %swap3A_17 = vector.shape_cast %swap3A_16 : vector<1x16xf32> to vector<16xf32>
    %swap3A_18 = vector.shape_cast %broadcast_in_dim3A_1 : vector<16xf32> to vector<1x16xf32>
    tpu.vector_store %arg9[%swap3A_14, %swap3A_15], %swap3A_18 {strides = array<i32>} : memref<8x128xf32, #tpu.memory_space<vmem>>, vector<1x16xf32>,
    %swap3A_19 = arith.constant 0 : i32
    %swap3A_20 = arith.index_cast %swap3A_19 : i32 to index
    %swap3A_21 = arith.constant 48 : index
    %swap3A_22 = tpu.vector_load %arg9[%swap3A_20, %swap3A_21] {strides = array<i32>} : memref<8x128xf32, #tpu.memory_space<vmem>>, vector<1x16xf32>,
    %swap3A_23 = vector.shape_cast %swap3A_22 : vector<1x16xf32> to vector<16xf32>
    %swap3A_24 = vector.shape_cast %broadcast_in_dim3A_1 : vector<16xf32> to vector<1x16xf32>
    tpu.vector_store %arg9[%swap3A_20, %swap3A_21], %swap3A_24 {strides = array<i32>} : memref<8x128xf32, #tpu.memory_space<vmem>>, vector<1x16xf32>,
    %swap3A_25 = arith.constant 0 : i32
    %swap3A_26 = arith.index_cast %swap3A_25 : i32 to index
    %swap3A_27 = arith.constant 64 : index
    %swap3A_28 = tpu.vector_load %arg9[%swap3A_26, %swap3A_27] {strides = array<i32>} : memref<8x128xf32, #tpu.memory_space<vmem>>, vector<1x16xf32>,
    %swap3A_29 = vector.shape_cast %swap3A_28 : vector<1x16xf32> to vector<16xf32>
    %swap3A_30 = vector.shape_cast %broadcast_in_dim3A_1 : vector<16xf32> to vector<1x16xf32>
    tpu.vector_store %arg9[%swap3A_26, %swap3A_27], %swap3A_30 {strides = array<i32>} : memref<8x128xf32, #tpu.memory_space<vmem>>, vector<1x16xf32>,
    %swap3A_31 = arith.constant 0 : i32
    %swap3A_32 = arith.index_cast %swap3A_31 : i32 to index
    %swap3A_33 = arith.constant 80 : index
    %swap3A_34 = tpu.vector_load %arg9[%swap3A_32, %swap3A_33] {strides = array<i32>} : memref<8x128xf32, #tpu.memory_space<vmem>>, vector<1x16xf32>,
    %swap3A_35 = vector.shape_cast %swap3A_34 : vector<1x16xf32> to vector<16xf32>
    %swap3A_36 = vector.shape_cast %broadcast_in_dim3A_1 : vector<16xf32> to vector<1x16xf32>
    tpu.vector_store %arg9[%swap3A_32, %swap3A_33], %swap3A_36 {strides = array<i32>} : memref<8x128xf32, #tpu.memory_space<vmem>>, vector<1x16xf32>,
    %swap3A_37 = arith.constant 0 : i32
    %swap3A_38 = arith.index_cast %swap3A_37 : i32 to index
    %swap3A_39 = arith.constant 96 : index
    %swap3A_40 = tpu.vector_load %arg9[%swap3A_38, %swap3A_39] {strides = array<i32>} : memref<8x128xf32, #tpu.memory_space<vmem>>, vector<1x16xf32>,
    %swap3A_41 = vector.shape_cast %swap3A_40 : vector<1x16xf32> to vector<16xf32>
    %swap3A_42 = vector.shape_cast %broadcast_in_dim3A_1 : vector<16xf32> to vector<1x16xf32>
    tpu.vector_store %arg9[%swap3A_38, %swap3A_39], %swap3A_42 {strides = array<i32>} : memref<8x128xf32, #tpu.memory_space<vmem>>, vector<1x16xf32>,
    %swap3A_43 = arith.constant 0 : i32
    %swap3A_44 = arith.index_cast %swap3A_43 : i32 to index
    %swap3A_45 = arith.constant 112 : index
    %swap3A_46 = tpu.vector_load %arg9[%swap3A_44, %swap3A_45] {strides = array<i32>} : memref<8x128xf32, #tpu.memory_space<vmem>>, vector<1x16xf32>,
    %swap3A_47 = vector.shape_cast %swap3A_46 : vector<1x16xf32> to vector<16xf32>
    %swap3A_48 = vector.shape_cast %broadcast_in_dim3A_1 : vector<16xf32> to vector<1x16xf32>
    tpu.vector_store %arg9[%swap3A_44, %swap3A_45], %swap3A_48 {strides = array<i32>} : memref<8x128xf32, #tpu.memory_space<vmem>>, vector<1x16xf32>,
    %swap3A_49 = arith.constant 1 : i32
    %swap3A_50 = arith.index_cast %swap3A_49 : i32 to index
    %swap3A_51 = arith.constant 0 : index
    %swap3A_52 = tpu.vector_load %arg9[%swap3A_50, %swap3A_51] {strides = array<i32>} : memref<8x128xf32, #tpu.memory_space<vmem>>, vector<1x16xf32>,
    %swap3A_53 = vector.shape_cast %swap3A_52 : vector<1x16xf32> to vector<16xf32>
    %swap3A_54 = vector.shape_cast %broadcast_in_dim3A_1 : vector<16xf32> to vector<1x16xf32>
    tpu.vector_store %arg9[%swap3A_50, %swap3A_51], %swap3A_54 {strides = array<i32>} : memref<8x128xf32, #tpu.memory_space<vmem>>, vector<1x16xf32>,
    %swap3A_55 = arith.constant 1 : i32
    %swap3A_56 = arith.index_cast %swap3A_55 : i32 to index
    %swap3A_57 = arith.constant 16 : index
    %swap3A_58 = tpu.vector_load %arg9[%swap3A_56, %swap3A_57] {strides = array<i32>} : memref<8x128xf32, #tpu.memory_space<vmem>>, vector<1x16xf32>,
    %swap3A_59 = vector.shape_cast %swap3A_58 : vector<1x16xf32> to vector<16xf32>
    %swap3A_60 = vector.shape_cast %broadcast_in_dim3A_1 : vector<16xf32> to vector<1x16xf32>
    tpu.vector_store %arg9[%swap3A_56, %swap3A_57], %swap3A_60 {strides = array<i32>} : memref<8x128xf32, #tpu.memory_space<vmem>>, vector<1x16xf32>,
    %swap3A_61 = arith.constant 1 : i32
    %swap3A_62 = arith.index_cast %swap3A_61 : i32 to index
    %swap3A_63 = arith.constant 32 : index
    %swap3A_64 = tpu.vector_load %arg9[%swap3A_62, %swap3A_63] {strides = array<i32>} : memref<8x128xf32, #tpu.memory_space<vmem>>, vector<1x16xf32>,
    %swap3A_65 = vector.shape_cast %swap3A_64 : vector<1x16xf32> to vector<16xf32>
    %swap3A_66 = vector.shape_cast %broadcast_in_dim3A_1 : vector<16xf32> to vector<1x16xf32>
    tpu.vector_store %arg9[%swap3A_62, %swap3A_63], %swap3A_66 {strides = array<i32>} : memref<8x128xf32, #tpu.memory_space<vmem>>, vector<1x16xf32>,
    %swap3A_67 = arith.constant 1 : i32
    %swap3A_68 = arith.index_cast %swap3A_67 : i32 to index
    %swap3A_69 = arith.constant 48 : index
    %swap3A_70 = tpu.vector_load %arg9[%swap3A_68, %swap3A_69] {strides = array<i32>} : memref<8x128xf32, #tpu.memory_space<vmem>>, vector<1x16xf32>,
    %swap3A_71 = vector.shape_cast %swap3A_70 : vector<1x16xf32> to vector<16xf32>
    %swap3A_72 = vector.shape_cast %broadcast_in_dim3A_1 : vector<16xf32> to vector<1x16xf32>
    tpu.vector_store %arg9[%swap3A_68, %swap3A_69], %swap3A_72 {strides = array<i32>} : memref<8x128xf32, #tpu.memory_space<vmem>>, vector<1x16xf32>,
    %swap3A_73 = arith.constant 1 : i32
    %swap3A_74 = arith.index_cast %swap3A_73 : i32 to index
    %swap3A_75 = arith.constant 64 : index
    %swap3A_76 = tpu.vector_load %arg9[%swap3A_74, %swap3A_75] {strides = array<i32>} : memref<8x128xf32, #tpu.memory_space<vmem>>, vector<1x16xf32>,
    %swap3A_77 = vector.shape_cast %swap3A_76 : vector<1x16xf32> to vector<16xf32>
    %swap3A_78 = vector.shape_cast %broadcast_in_dim3A_1 : vector<16xf32> to vector<1x16xf32>
    tpu.vector_store %arg9[%swap3A_74, %swap3A_75], %swap3A_78 {strides = array<i32>} : memref<8x128xf32, #tpu.memory_space<vmem>>, vector<1x16xf32>,
    %swap3A_79 = arith.constant 1 : i32
    %swap3A_80 = arith.index_cast %swap3A_79 : i32 to index
    %swap3A_81 = arith.constant 80 : index
    %swap3A_82 = tpu.vector_load %arg9[%swap3A_80, %swap3A_81] {strides = array<i32>} : memref<8x128xf32, #tpu.memory_space<vmem>>, vector<1x16xf32>,
    %swap3A_83 = vector.shape_cast %swap3A_82 : vector<1x16xf32> to vector<16xf32>
    %swap3A_84 = vector.shape_cast %broadcast_in_dim3A_1 : vector<16xf32> to vector<1x16xf32>
    tpu.vector_store %arg9[%swap3A_80, %swap3A_81], %swap3A_84 {strides = array<i32>} : memref<8x128xf32, #tpu.memory_space<vmem>>, vector<1x16xf32>,
    %swap3A_85 = arith.constant 1 : i32
    %swap3A_86 = arith.index_cast %swap3A_85 : i32 to index
    %swap3A_87 = arith.constant 96 : index
    %swap3A_88 = tpu.vector_load %arg9[%swap3A_86, %swap3A_87] {strides = array<i32>} : memref<8x128xf32, #tpu.memory_space<vmem>>, vector<1x16xf32>,
    %swap3A_89 = vector.shape_cast %swap3A_88 : vector<1x16xf32> to vector<16xf32>
    %swap3A_90 = vector.shape_cast %broadcast_in_dim3A_1 : vector<16xf32> to vector<1x16xf32>
    tpu.vector_store %arg9[%swap3A_86, %swap3A_87], %swap3A_90 {strides = array<i32>} : memref<8x128xf32, #tpu.memory_space<vmem>>, vector<1x16xf32>,
    %swap3A_91 = arith.constant 1 : i32
    %swap3A_92 = arith.index_cast %swap3A_91 : i32 to index
    %swap3A_93 = arith.constant 112 : index
    %swap3A_94 = tpu.vector_load %arg9[%swap3A_92, %swap3A_93] {strides = array<i32>} : memref<8x128xf32, #tpu.memory_space<vmem>>, vector<1x16xf32>,
    %swap3A_95 = vector.shape_cast %swap3A_94 : vector<1x16xf32> to vector<16xf32>
    %swap3A_96 = vector.shape_cast %broadcast_in_dim3A_1 : vector<16xf32> to vector<1x16xf32>
    tpu.vector_store %arg9[%swap3A_92, %swap3A_93], %swap3A_96 {strides = array<i32>} : memref<8x128xf32, #tpu.memory_space<vmem>>, vector<1x16xf32>,
    %swap3A_97 = arith.constant 2 : i32
    %swap3A_98 = arith.index_cast %swap3A_97 : i32 to index
    %swap3A_99 = arith.constant 0 : index
    %swap3A_100 = tpu.vector_load %arg9[%swap3A_98, %swap3A_99] {strides = array<i32>} : memref<8x128xf32, #tpu.memory_space<vmem>>, vector<1x16xf32>,
    %swap3A_101 = vector.shape_cast %swap3A_100 : vector<1x16xf32> to vector<16xf32>
    %swap3A_102 = vector.shape_cast %broadcast_in_dim3A_1 : vector<16xf32> to vector<1x16xf32>
    tpu.vector_store %arg9[%swap3A_98, %swap3A_99], %swap3A_102 {strides = array<i32>} : memref<8x128xf32, #tpu.memory_space<vmem>>, vector<1x16xf32>,
    %swap3A_103 = arith.constant 2 : i32
    %swap3A_104 = arith.index_cast %swap3A_103 : i32 to index
    %swap3A_105 = arith.constant 16 : index
    %swap3A_106 = tpu.vector_load %arg9[%swap3A_104, %swap3A_105] {strides = array<i32>} : memref<8x128xf32, #tpu.memory_space<vmem>>, vector<1x16xf32>,
    %swap3A_107 = vector.shape_cast %swap3A_106 : vector<1x16xf32> to vector<16xf32>
    %swap3A_108 = vector.shape_cast %broadcast_in_dim3A_1 : vector<16xf32> to vector<1x16xf32>
    tpu.vector_store %arg9[%swap3A_104, %swap3A_105], %swap3A_108 {strides = array<i32>} : memref<8x128xf32, #tpu.memory_space<vmem>>, vector<1x16xf32>,
    %swap3A_109 = arith.constant 2 : i32
    %swap3A_110 = arith.index_cast %swap3A_109 : i32 to index
    %swap3A_111 = arith.constant 32 : index
    %swap3A_112 = tpu.vector_load %arg9[%swap3A_110, %swap3A_111] {strides = array<i32>} : memref<8x128xf32, #tpu.memory_space<vmem>>, vector<1x16xf32>,
    %swap3A_113 = vector.shape_cast %swap3A_112 : vector<1x16xf32> to vector<16xf32>
    %swap3A_114 = vector.shape_cast %broadcast_in_dim3A_1 : vector<16xf32> to vector<1x16xf32>
    tpu.vector_store %arg9[%swap3A_110, %swap3A_111], %swap3A_114 {strides = array<i32>} : memref<8x128xf32, #tpu.memory_space<vmem>>, vector<1x16xf32>,
    %swap3A_115 = arith.constant 2 : i32
    %swap3A_116 = arith.index_cast %swap3A_115 : i32 to index
    %swap3A_117 = arith.constant 48 : index
    %swap3A_118 = tpu.vector_load %arg9[%swap3A_116, %swap3A_117] {strides = array<i32>} : memref<8x128xf32, #tpu.memory_space<vmem>>, vector<1x16xf32>,
    %swap3A_119 = vector.shape_cast %swap3A_118 : vector<1x16xf32> to vector<16xf32>
    %swap3A_120 = vector.shape_cast %broadcast_in_dim3A_1 : vector<16xf32> to vector<1x16xf32>
    tpu.vector_store %arg9[%swap3A_116, %swap3A_117], %swap3A_120 {strides = array<i32>} : memref<8x128xf32, #tpu.memory_space<vmem>>, vector<1x16xf32>,
    %swap3A_121 = arith.constant 2 : i32
    %swap3A_122 = arith.index_cast %swap3A_121 : i32 to index
    %swap3A_123 = arith.constant 64 : index
    %swap3A_124 = tpu.vector_load %arg9[%swap3A_122, %swap3A_123] {strides = array<i32>} : memref<8x128xf32, #tpu.memory_space<vmem>>, vector<1x16xf32>,
    %swap3A_125 = vector.shape_cast %swap3A_124 : vector<1x16xf32> to vector<16xf32>
    %swap3A_126 = vector.shape_cast %broadcast_in_dim3A_1 : vector<16xf32> to vector<1x16xf32>
    tpu.vector_store %arg9[%swap3A_122, %swap3A_123], %swap3A_126 {strides = array<i32>} : memref<8x128xf32, #tpu.memory_space<vmem>>, vector<1x16xf32>,
    %swap3A_127 = arith.constant 2 : i32
    %swap3A_128 = arith.index_cast %swap3A_127 : i32 to index
    %swap3A_129 = arith.constant 80 : index
    %swap3A_130 = tpu.vector_load %arg9[%swap3A_128, %swap3A_129] {strides = array<i32>} : memref<8x128xf32, #tpu.memory_space<vmem>>, vector<1x16xf32>,
    %swap3A_131 = vector.shape_cast %swap3A_130 : vector<1x16xf32> to vector<16xf32>
    %swap3A_132 = vector.shape_cast %broadcast_in_dim3A_1 : vector<16xf32> to vector<1x16xf32>
    tpu.vector_store %arg9[%swap3A_128, %swap3A_129], %swap3A_132 {strides = array<i32>} : memref<8x128xf32, #tpu.memory_space<vmem>>, vector<1x16xf32>,
    %swap3A_133 = arith.constant 2 : i32
    %swap3A_134 = arith.index_cast %swap3A_133 : i32 to index
    %swap3A_135 = arith.constant 96 : index
    %swap3A_136 = tpu.vector_load %arg9[%swap3A_134, %swap3A_135] {strides = array<i32>} : memref<8x128xf32, #tpu.memory_space<vmem>>, vector<1x16xf32>,
    %swap3A_137 = vector.shape_cast %swap3A_136 : vector<1x16xf32> to vector<16xf32>
    %swap3A_138 = vector.shape_cast %broadcast_in_dim3A_1 : vector<16xf32> to vector<1x16xf32>
    tpu.vector_store %arg9[%swap3A_134, %swap3A_135], %swap3A_138 {strides = array<i32>} : memref<8x128xf32, #tpu.memory_space<vmem>>, vector<1x16xf32>,
    %swap3A_139 = arith.constant 2 : i32
    %swap3A_140 = arith.index_cast %swap3A_139 : i32 to index
    %swap3A_141 = arith.constant 112 : index
    %swap3A_142 = tpu.vector_load %arg9[%swap3A_140, %swap3A_141] {strides = array<i32>} : memref<8x128xf32, #tpu.memory_space<vmem>>, vector<1x16xf32>,
    %swap3A_143 = vector.shape_cast %swap3A_142 : vector<1x16xf32> to vector<16xf32>
    %swap3A_144 = vector.shape_cast %broadcast_in_dim3A_1 : vector<16xf32> to vector<1x16xf32>
    tpu.vector_store %arg9[%swap3A_140, %swap3A_141], %swap3A_144 {strides = array<i32>} : memref<8x128xf32, #tpu.memory_space<vmem>>, vector<1x16xf32>,
    %swap3A_145 = arith.constant 3 : i32
    %swap3A_146 = arith.index_cast %swap3A_145 : i32 to index
    %swap3A_147 = arith.constant 0 : index
    %swap3A_148 = tpu.vector_load %arg9[%swap3A_146, %swap3A_147] {strides = array<i32>} : memref<8x128xf32, #tpu.memory_space<vmem>>, vector<1x16xf32>,
    %swap3A_149 = vector.shape_cast %swap3A_148 : vector<1x16xf32> to vector<16xf32>
    %swap3A_150 = vector.shape_cast %broadcast_in_dim3A_1 : vector<16xf32> to vector<1x16xf32>
    tpu.vector_store %arg9[%swap3A_146, %swap3A_147], %swap3A_150 {strides = array<i32>} : memref<8x128xf32, #tpu.memory_space<vmem>>, vector<1x16xf32>,
    %swap3A_151 = arith.constant 3 : i32
    %swap3A_152 = arith.index_cast %swap3A_151 : i32 to index
    %swap3A_153 = arith.constant 16 : index
    %swap3A_154 = tpu.vector_load %arg9[%swap3A_152, %swap3A_153] {strides = array<i32>} : memref<8x128xf32, #tpu.memory_space<vmem>>, vector<1x16xf32>,
    %swap3A_155 = vector.shape_cast %swap3A_154 : vector<1x16xf32> to vector<16xf32>
    %swap3A_156 = vector.shape_cast %broadcast_in_dim3A_1 : vector<16xf32> to vector<1x16xf32>
    tpu.vector_store %arg9[%swap3A_152, %swap3A_153], %swap3A_156 {strides = array<i32>} : memref<8x128xf32, #tpu.memory_space<vmem>>, vector<1x16xf32>,
    %swap3A_157 = arith.constant 3 : i32
    %swap3A_158 = arith.index_cast %swap3A_157 : i32 to index
    %swap3A_159 = arith.constant 32 : index
    %swap3A_160 = tpu.vector_load %arg9[%swap3A_158, %swap3A_159] {strides = array<i32>} : memref<8x128xf32, #tpu.memory_space<vmem>>, vector<1x16xf32>,
    %swap3A_161 = vector.shape_cast %swap3A_160 : vector<1x16xf32> to vector<16xf32>
    %swap3A_162 = vector.shape_cast %broadcast_in_dim3A_1 : vector<16xf32> to vector<1x16xf32>
    tpu.vector_store %arg9[%swap3A_158, %swap3A_159], %swap3A_162 {strides = array<i32>} : memref<8x128xf32, #tpu.memory_space<vmem>>, vector<1x16xf32>,
    %swap3A_163 = arith.constant 3 : i32
    %swap3A_164 = arith.index_cast %swap3A_163 : i32 to index
    %swap3A_165 = arith.constant 48 : index
    %swap3A_166 = tpu.vector_load %arg9[%swap3A_164, %swap3A_165] {strides = array<i32>} : memref<8x128xf32, #tpu.memory_space<vmem>>, vector<1x16xf32>,
    %swap3A_167 = vector.shape_cast %swap3A_166 : vector<1x16xf32> to vector<16xf32>
    %swap3A_168 = vector.shape_cast %broadcast_in_dim3A_1 : vector<16xf32> to vector<1x16xf32>
    tpu.vector_store %arg9[%swap3A_164, %swap3A_165], %swap3A_168 {strides = array<i32>} : memref<8x128xf32, #tpu.memory_space<vmem>>, vector<1x16xf32>,
    %swap3A_169 = arith.constant 3 : i32
    %swap3A_170 = arith.index_cast %swap3A_169 : i32 to index
    %swap3A_171 = arith.constant 64 : index
    %swap3A_172 = tpu.vector_load %arg9[%swap3A_170, %swap3A_171] {strides = array<i32>} : memref<8x128xf32, #tpu.memory_space<vmem>>, vector<1x16xf32>,
    %swap3A_173 = vector.shape_cast %swap3A_172 : vector<1x16xf32> to vector<16xf32>
    %swap3A_174 = vector.shape_cast %broadcast_in_dim3A_1 : vector<16xf32> to vector<1x16xf32>
    tpu.vector_store %arg9[%swap3A_170, %swap3A_171], %swap3A_174 {strides = array<i32>} : memref<8x128xf32, #tpu.memory_space<vmem>>, vector<1x16xf32>,
    %swap3A_175 = arith.constant 3 : i32
    %swap3A_176 = arith.index_cast %swap3A_175 : i32 to index
    %swap3A_177 = arith.constant 80 : index
    %swap3A_178 = tpu.vector_load %arg9[%swap3A_176, %swap3A_177] {strides = array<i32>} : memref<8x128xf32, #tpu.memory_space<vmem>>, vector<1x16xf32>,
    %swap3A_179 = vector.shape_cast %swap3A_178 : vector<1x16xf32> to vector<16xf32>
    %swap3A_180 = vector.shape_cast %broadcast_in_dim3A_1 : vector<16xf32> to vector<1x16xf32>
    tpu.vector_store %arg9[%swap3A_176, %swap3A_177], %swap3A_180 {strides = array<i32>} : memref<8x128xf32, #tpu.memory_space<vmem>>, vector<1x16xf32>,
    %swap3A_181 = arith.constant 3 : i32
    %swap3A_182 = arith.index_cast %swap3A_181 : i32 to index
    %swap3A_183 = arith.constant 96 : index
    %swap3A_184 = tpu.vector_load %arg9[%swap3A_182, %swap3A_183] {strides = array<i32>} : memref<8x128xf32, #tpu.memory_space<vmem>>, vector<1x16xf32>,
    %swap3A_185 = vector.shape_cast %swap3A_184 : vector<1x16xf32> to vector<16xf32>
    %swap3A_186 = vector.shape_cast %broadcast_in_dim3A_1 : vector<16xf32> to vector<1x16xf32>
    tpu.vector_store %arg9[%swap3A_182, %swap3A_183], %swap3A_186 {strides = array<i32>} : memref<8x128xf32, #tpu.memory_space<vmem>>, vector<1x16xf32>,
    %swap3A_187 = arith.constant 3 : i32
    %swap3A_188 = arith.index_cast %swap3A_187 : i32 to index
    %swap3A_189 = arith.constant 112 : index
    %swap3A_190 = tpu.vector_load %arg9[%swap3A_188, %swap3A_189] {strides = array<i32>} : memref<8x128xf32, #tpu.memory_space<vmem>>, vector<1x16xf32>,
    %swap3A_191 = vector.shape_cast %swap3A_190 : vector<1x16xf32> to vector<16xf32>
    %swap3A_192 = vector.shape_cast %broadcast_in_dim3A_1 : vector<16xf32> to vector<1x16xf32>
    tpu.vector_store %arg9[%swap3A_188, %swap3A_189], %swap3A_192 {strides = array<i32>} : memref<8x128xf32, #tpu.memory_space<vmem>>, vector<1x16xf32>,
    %swap3A_193 = arith.constant 4 : i32
    %swap3A_194 = arith.index_cast %swap3A_193 : i32 to index
    %swap3A_195 = arith.constant 0 : index
    %swap3A_196 = tpu.vector_load %arg9[%swap3A_194, %swap3A_195] {strides = array<i32>} : memref<8x128xf32, #tpu.memory_space<vmem>>, vector<1x16xf32>,
    %swap3A_197 = vector.shape_cast %swap3A_196 : vector<1x16xf32> to vector<16xf32>
    %swap3A_198 = vector.shape_cast %broadcast_in_dim3A_1 : vector<16xf32> to vector<1x16xf32>
    tpu.vector_store %arg9[%swap3A_194, %swap3A_195], %swap3A_198 {strides = array<i32>} : memref<8x128xf32, #tpu.memory_space<vmem>>, vector<1x16xf32>,
    %swap3A_199 = arith.constant 4 : i32
    %swap3A_200 = arith.index_cast %swap3A_199 : i32 to index
    %swap3A_201 = arith.constant 16 : index
    %swap3A_202 = tpu.vector_load %arg9[%swap3A_200, %swap3A_201] {strides = array<i32>} : memref<8x128xf32, #tpu.memory_space<vmem>>, vector<1x16xf32>,
    %swap3A_203 = vector.shape_cast %swap3A_202 : vector<1x16xf32> to vector<16xf32>
    %swap3A_204 = vector.shape_cast %broadcast_in_dim3A_1 : vector<16xf32> to vector<1x16xf32>
    tpu.vector_store %arg9[%swap3A_200, %swap3A_201], %swap3A_204 {strides = array<i32>} : memref<8x128xf32, #tpu.memory_space<vmem>>, vector<1x16xf32>,
    %swap3A_205 = arith.constant 4 : i32
    %swap3A_206 = arith.index_cast %swap3A_205 : i32 to index
    %swap3A_207 = arith.constant 32 : index
    %swap3A_208 = tpu.vector_load %arg9[%swap3A_206, %swap3A_207] {strides = array<i32>} : memref<8x128xf32, #tpu.memory_space<vmem>>, vector<1x16xf32>,
    %swap3A_209 = vector.shape_cast %swap3A_208 : vector<1x16xf32> to vector<16xf32>
    %swap3A_210 = vector.shape_cast %broadcast_in_dim3A_1 : vector<16xf32> to vector<1x16xf32>
    tpu.vector_store %arg9[%swap3A_206, %swap3A_207], %swap3A_210 {strides = array<i32>} : memref<8x128xf32, #tpu.memory_space<vmem>>, vector<1x16xf32>,
    %swap3A_211 = arith.constant 4 : i32
    %swap3A_212 = arith.index_cast %swap3A_211 : i32 to index
    %swap3A_213 = arith.constant 48 : index
    %swap3A_214 = tpu.vector_load %arg9[%swap3A_212, %swap3A_213] {strides = array<i32>} : memref<8x128xf32, #tpu.memory_space<vmem>>, vector<1x16xf32>,
    %swap3A_215 = vector.shape_cast %swap3A_214 : vector<1x16xf32> to vector<16xf32>
    %swap3A_216 = vector.shape_cast %broadcast_in_dim3A_1 : vector<16xf32> to vector<1x16xf32>
    tpu.vector_store %arg9[%swap3A_212, %swap3A_213], %swap3A_216 {strides = array<i32>} : memref<8x128xf32, #tpu.memory_space<vmem>>, vector<1x16xf32>,
    %swap3A_217 = arith.constant 4 : i32
    %swap3A_218 = arith.index_cast %swap3A_217 : i32 to index
    %swap3A_219 = arith.constant 64 : index
    %swap3A_220 = tpu.vector_load %arg9[%swap3A_218, %swap3A_219] {strides = array<i32>} : memref<8x128xf32, #tpu.memory_space<vmem>>, vector<1x16xf32>,
    %swap3A_221 = vector.shape_cast %swap3A_220 : vector<1x16xf32> to vector<16xf32>
    %swap3A_222 = vector.shape_cast %broadcast_in_dim3A_1 : vector<16xf32> to vector<1x16xf32>
    tpu.vector_store %arg9[%swap3A_218, %swap3A_219], %swap3A_222 {strides = array<i32>} : memref<8x128xf32, #tpu.memory_space<vmem>>, vector<1x16xf32>,
    %swap3A_223 = arith.constant 4 : i32
    %swap3A_224 = arith.index_cast %swap3A_223 : i32 to index
    %swap3A_225 = arith.constant 80 : index
    %swap3A_226 = tpu.vector_load %arg9[%swap3A_224, %swap3A_225] {strides = array<i32>} : memref<8x128xf32, #tpu.memory_space<vmem>>, vector<1x16xf32>,
    %swap3A_227 = vector.shape_cast %swap3A_226 : vector<1x16xf32> to vector<16xf32>
    %swap3A_228 = vector.shape_cast %broadcast_in_dim3A_1 : vector<16xf32> to vector<1x16xf32>
    tpu.vector_store %arg9[%swap3A_224, %swap3A_225], %swap3A_228 {strides = array<i32>} : memref<8x128xf32, #tpu.memory_space<vmem>>, vector<1x16xf32>,
    %swap3A_229 = arith.constant 4 : i32
    %swap3A_230 = arith.index_cast %swap3A_229 : i32 to index
    %swap3A_231 = arith.constant 96 : index
    %swap3A_232 = tpu.vector_load %arg9[%swap3A_230, %swap3A_231] {strides = array<i32>} : memref<8x128xf32, #tpu.memory_space<vmem>>, vector<1x16xf32>,
    %swap3A_233 = vector.shape_cast %swap3A_232 : vector<1x16xf32> to vector<16xf32>
    %swap3A_234 = vector.shape_cast %broadcast_in_dim3A_1 : vector<16xf32> to vector<1x16xf32>
    tpu.vector_store %arg9[%swap3A_230, %swap3A_231], %swap3A_234 {strides = array<i32>} : memref<8x128xf32, #tpu.memory_space<vmem>>, vector<1x16xf32>,
    %swap3A_235 = arith.constant 4 : i32
    %swap3A_236 = arith.index_cast %swap3A_235 : i32 to index
    %swap3A_237 = arith.constant 112 : index
    %swap3A_238 = tpu.vector_load %arg9[%swap3A_236, %swap3A_237] {strides = array<i32>} : memref<8x128xf32, #tpu.memory_space<vmem>>, vector<1x16xf32>,
    %swap3A_239 = vector.shape_cast %swap3A_238 : vector<1x16xf32> to vector<16xf32>
    %swap3A_240 = vector.shape_cast %broadcast_in_dim3A_1 : vector<16xf32> to vector<1x16xf32>
    tpu.vector_store %arg9[%swap3A_236, %swap3A_237], %swap3A_240 {strides = array<i32>} : memref<8x128xf32, #tpu.memory_space<vmem>>, vector<1x16xf32>,
    %swap3A_241 = arith.constant 5 : i32
    %swap3A_242 = arith.index_cast %swap3A_241 : i32 to index
    %swap3A_243 = arith.constant 0 : index
    %swap3A_244 = tpu.vector_load %arg9[%swap3A_242, %swap3A_243] {strides = array<i32>} : memref<8x128xf32, #tpu.memory_space<vmem>>, vector<1x16xf32>,
    %swap3A_245 = vector.shape_cast %swap3A_244 : vector<1x16xf32> to vector<16xf32>
    %swap3A_246 = vector.shape_cast %broadcast_in_dim3A_1 : vector<16xf32> to vector<1x16xf32>
    tpu.vector_store %arg9[%swap3A_242, %swap3A_243], %swap3A_246 {strides = array<i32>} : memref<8x128xf32, #tpu.memory_space<vmem>>, vector<1x16xf32>,
    %swap3A_247 = arith.constant 5 : i32
    %swap3A_248 = arith.index_cast %swap3A_247 : i32 to index
    %swap3A_249 = arith.constant 16 : index
    %swap3A_250 = tpu.vector_load %arg9[%swap3A_248, %swap3A_249] {strides = array<i32>} : memref<8x128xf32, #tpu.memory_space<vmem>>, vector<1x16xf32>,
    %swap3A_251 = vector.shape_cast %swap3A_250 : vector<1x16xf32> to vector<16xf32>
    %swap3A_252 = vector.shape_cast %broadcast_in_dim3A_1 : vector<16xf32> to vector<1x16xf32>
    tpu.vector_store %arg9[%swap3A_248, %swap3A_249], %swap3A_252 {strides = array<i32>} : memref<8x128xf32, #tpu.memory_space<vmem>>, vector<1x16xf32>,
    %swap3A_253 = arith.constant 5 : i32
    %swap3A_254 = arith.index_cast %swap3A_253 : i32 to index
    %swap3A_255 = arith.constant 32 : index
    %swap3A_256 = tpu.vector_load %arg9[%swap3A_254, %swap3A_255] {strides = array<i32>} : memref<8x128xf32, #tpu.memory_space<vmem>>, vector<1x16xf32>,
    %swap3A_257 = vector.shape_cast %swap3A_256 : vector<1x16xf32> to vector<16xf32>
    %swap3A_258 = vector.shape_cast %broadcast_in_dim3A_1 : vector<16xf32> to vector<1x16xf32>
    tpu.vector_store %arg9[%swap3A_254, %swap3A_255], %swap3A_258 {strides = array<i32>} : memref<8x128xf32, #tpu.memory_space<vmem>>, vector<1x16xf32>,
    %swap3A_259 = arith.constant 5 : i32
    %swap3A_260 = arith.index_cast %swap3A_259 : i32 to index
    %swap3A_261 = arith.constant 48 : index
    %swap3A_262 = tpu.vector_load %arg9[%swap3A_260, %swap3A_261] {strides = array<i32>} : memref<8x128xf32, #tpu.memory_space<vmem>>, vector<1x16xf32>,
    %swap3A_263 = vector.shape_cast %swap3A_262 : vector<1x16xf32> to vector<16xf32>
    %swap3A_264 = vector.shape_cast %broadcast_in_dim3A_1 : vector<16xf32> to vector<1x16xf32>
    tpu.vector_store %arg9[%swap3A_260, %swap3A_261], %swap3A_264 {strides = array<i32>} : memref<8x128xf32, #tpu.memory_space<vmem>>, vector<1x16xf32>,
    %swap3A_265 = arith.constant 5 : i32
    %swap3A_266 = arith.index_cast %swap3A_265 : i32 to index
    %swap3A_267 = arith.constant 64 : index
    %swap3A_268 = tpu.vector_load %arg9[%swap3A_266, %swap3A_267] {strides = array<i32>} : memref<8x128xf32, #tpu.memory_space<vmem>>, vector<1x16xf32>,
    %swap3A_269 = vector.shape_cast %swap3A_268 : vector<1x16xf32> to vector<16xf32>
    %swap3A_270 = vector.shape_cast %broadcast_in_dim3A_1 : vector<16xf32> to vector<1x16xf32>
    tpu.vector_store %arg9[%swap3A_266, %swap3A_267], %swap3A_270 {strides = array<i32>} : memref<8x128xf32, #tpu.memory_space<vmem>>, vector<1x16xf32>,
    %swap3A_271 = arith.constant 5 : i32
    %swap3A_272 = arith.index_cast %swap3A_271 : i32 to index
    %swap3A_273 = arith.constant 80 : index
    %swap3A_274 = tpu.vector_load %arg9[%swap3A_272, %swap3A_273] {strides = array<i32>} : memref<8x128xf32, #tpu.memory_space<vmem>>, vector<1x16xf32>,
    %swap3A_275 = vector.shape_cast %swap3A_274 : vector<1x16xf32> to vector<16xf32>
    %swap3A_276 = vector.shape_cast %broadcast_in_dim3A_1 : vector<16xf32> to vector<1x16xf32>
    tpu.vector_store %arg9[%swap3A_272, %swap3A_273], %swap3A_276 {strides = array<i32>} : memref<8x128xf32, #tpu.memory_space<vmem>>, vector<1x16xf32>,
    %swap3A_277 = arith.constant 5 : i32
    %swap3A_278 = arith.index_cast %swap3A_277 : i32 to index
    %swap3A_279 = arith.constant 96 : index
    %swap3A_280 = tpu.vector_load %arg9[%swap3A_278, %swap3A_279] {strides = array<i32>} : memref<8x128xf32, #tpu.memory_space<vmem>>, vector<1x16xf32>,
    %swap3A_281 = vector.shape_cast %swap3A_280 : vector<1x16xf32> to vector<16xf32>
    %swap3A_282 = vector.shape_cast %broadcast_in_dim3A_1 : vector<16xf32> to vector<1x16xf32>
    tpu.vector_store %arg9[%swap3A_278, %swap3A_279], %swap3A_282 {strides = array<i32>} : memref<8x128xf32, #tpu.memory_space<vmem>>, vector<1x16xf32>,
    %swap3A_283 = arith.constant 5 : i32
    %swap3A_284 = arith.index_cast %swap3A_283 : i32 to index
    %swap3A_285 = arith.constant 112 : index
    %swap3A_286 = tpu.vector_load %arg9[%swap3A_284, %swap3A_285] {strides = array<i32>} : memref<8x128xf32, #tpu.memory_space<vmem>>, vector<1x16xf32>,
    %swap3A_287 = vector.shape_cast %swap3A_286 : vector<1x16xf32> to vector<16xf32>
    %swap3A_288 = vector.shape_cast %broadcast_in_dim3A_1 : vector<16xf32> to vector<1x16xf32>
    tpu.vector_store %arg9[%swap3A_284, %swap3A_285], %swap3A_288 {strides = array<i32>} : memref<8x128xf32, #tpu.memory_space<vmem>>, vector<1x16xf32>,
    %swap3A_289 = arith.constant 6 : i32
    %swap3A_290 = arith.index_cast %swap3A_289 : i32 to index
    %swap3A_291 = arith.constant 0 : index
    %swap3A_292 = tpu.vector_load %arg9[%swap3A_290, %swap3A_291] {strides = array<i32>} : memref<8x128xf32, #tpu.memory_space<vmem>>, vector<1x16xf32>,
    %swap3A_293 = vector.shape_cast %swap3A_292 : vector<1x16xf32> to vector<16xf32>
    %swap3A_294 = vector.shape_cast %broadcast_in_dim3A_1 : vector<16xf32> to vector<1x16xf32>
    tpu.vector_store %arg9[%swap3A_290, %swap3A_291], %swap3A_294 {strides = array<i32>} : memref<8x128xf32, #tpu.memory_space<vmem>>, vector<1x16xf32>,
    %swap3A_295 = arith.constant 6 : i32
    %swap3A_296 = arith.index_cast %swap3A_295 : i32 to index
    %swap3A_297 = arith.constant 16 : index
    %swap3A_298 = tpu.vector_load %arg9[%swap3A_296, %swap3A_297] {strides = array<i32>} : memref<8x128xf32, #tpu.memory_space<vmem>>, vector<1x16xf32>,
    %swap3A_299 = vector.shape_cast %swap3A_298 : vector<1x16xf32> to vector<16xf32>
    %swap3A_300 = vector.shape_cast %broadcast_in_dim3A_1 : vector<16xf32> to vector<1x16xf32>
    tpu.vector_store %arg9[%swap3A_296, %swap3A_297], %swap3A_300 {strides = array<i32>} : memref<8x128xf32, #tpu.memory_space<vmem>>, vector<1x16xf32>,
    %swap3A_301 = arith.constant 6 : i32
    %swap3A_302 = arith.index_cast %swap3A_301 : i32 to index
    %swap3A_303 = arith.constant 32 : index
    %swap3A_304 = tpu.vector_load %arg9[%swap3A_302, %swap3A_303] {strides = array<i32>} : memref<8x128xf32, #tpu.memory_space<vmem>>, vector<1x16xf32>,
    %swap3A_305 = vector.shape_cast %swap3A_304 : vector<1x16xf32> to vector<16xf32>
    %swap3A_306 = vector.shape_cast %broadcast_in_dim3A_1 : vector<16xf32> to vector<1x16xf32>
    tpu.vector_store %arg9[%swap3A_302, %swap3A_303], %swap3A_306 {strides = array<i32>} : memref<8x128xf32, #tpu.memory_space<vmem>>, vector<1x16xf32>,
    %swap3A_307 = arith.constant 6 : i32
    %swap3A_308 = arith.index_cast %swap3A_307 : i32 to index
    %swap3A_309 = arith.constant 48 : index
    %swap3A_310 = tpu.vector_load %arg9[%swap3A_308, %swap3A_309] {strides = array<i32>} : memref<8x128xf32, #tpu.memory_space<vmem>>, vector<1x16xf32>,
    %swap3A_311 = vector.shape_cast %swap3A_310 : vector<1x16xf32> to vector<16xf32>
    %swap3A_312 = vector.shape_cast %broadcast_in_dim3A_1 : vector<16xf32> to vector<1x16xf32>
    tpu.vector_store %arg9[%swap3A_308, %swap3A_309], %swap3A_312 {strides = array<i32>} : memref<8x128xf32, #tpu.memory_space<vmem>>, vector<1x16xf32>,
    %swap3A_313 = arith.constant 6 : i32
    %swap3A_314 = arith.index_cast %swap3A_313 : i32 to index
    %swap3A_315 = arith.constant 64 : index
    %swap3A_316 = tpu.vector_load %arg9[%swap3A_314, %swap3A_315] {strides = array<i32>} : memref<8x128xf32, #tpu.memory_space<vmem>>, vector<1x16xf32>,
    %swap3A_317 = vector.shape_cast %swap3A_316 : vector<1x16xf32> to vector<16xf32>
    %swap3A_318 = vector.shape_cast %broadcast_in_dim3A_1 : vector<16xf32> to vector<1x16xf32>
    tpu.vector_store %arg9[%swap3A_314, %swap3A_315], %swap3A_318 {strides = array<i32>} : memref<8x128xf32, #tpu.memory_space<vmem>>, vector<1x16xf32>,
    %swap3A_319 = arith.constant 6 : i32
    %swap3A_320 = arith.index_cast %swap3A_319 : i32 to index
    %swap3A_321 = arith.constant 80 : index
    %swap3A_322 = tpu.vector_load %arg9[%swap3A_320, %swap3A_321] {strides = array<i32>} : memref<8x128xf32, #tpu.memory_space<vmem>>, vector<1x16xf32>,
    %swap3A_323 = vector.shape_cast %swap3A_322 : vector<1x16xf32> to vector<16xf32>
    %swap3A_324 = vector.shape_cast %broadcast_in_dim3A_1 : vector<16xf32> to vector<1x16xf32>
    tpu.vector_store %arg9[%swap3A_320, %swap3A_321], %swap3A_324 {strides = array<i32>} : memref<8x128xf32, #tpu.memory_space<vmem>>, vector<1x16xf32>,
    %swap3A_325 = arith.constant 6 : i32
    %swap3A_326 = arith.index_cast %swap3A_325 : i32 to index
    %swap3A_327 = arith.constant 96 : index
    %swap3A_328 = tpu.vector_load %arg9[%swap3A_326, %swap3A_327] {strides = array<i32>} : memref<8x128xf32, #tpu.memory_space<vmem>>, vector<1x16xf32>,
    %swap3A_329 = vector.shape_cast %swap3A_328 : vector<1x16xf32> to vector<16xf32>
    %swap3A_330 = vector.shape_cast %broadcast_in_dim3A_1 : vector<16xf32> to vector<1x16xf32>
    tpu.vector_store %arg9[%swap3A_326, %swap3A_327], %swap3A_330 {strides = array<i32>} : memref<8x128xf32, #tpu.memory_space<vmem>>, vector<1x16xf32>,
    %swap3A_331 = arith.constant 6 : i32
    %swap3A_332 = arith.index_cast %swap3A_331 : i32 to index
    %swap3A_333 = arith.constant 112 : index
    %swap3A_334 = tpu.vector_load %arg9[%swap3A_332, %swap3A_333] {strides = array<i32>} : memref<8x128xf32, #tpu.memory_space<vmem>>, vector<1x16xf32>,
    %swap3A_335 = vector.shape_cast %swap3A_334 : vector<1x16xf32> to vector<16xf32>
    %swap3A_336 = vector.shape_cast %broadcast_in_dim3A_1 : vector<16xf32> to vector<1x16xf32>
    tpu.vector_store %arg9[%swap3A_332, %swap3A_333], %swap3A_336 {strides = array<i32>} : memref<8x128xf32, #tpu.memory_space<vmem>>, vector<1x16xf32>,
    %swap3A_337 = arith.constant 7 : i32
    %swap3A_338 = arith.index_cast %swap3A_337 : i32 to index
    %swap3A_339 = arith.constant 0 : index
    %swap3A_340 = tpu.vector_load %arg9[%swap3A_338, %swap3A_339] {strides = array<i32>} : memref<8x128xf32, #tpu.memory_space<vmem>>, vector<1x16xf32>,
    %swap3A_341 = vector.shape_cast %swap3A_340 : vector<1x16xf32> to vector<16xf32>
    %swap3A_342 = vector.shape_cast %broadcast_in_dim3A_1 : vector<16xf32> to vector<1x16xf32>
    tpu.vector_store %arg9[%swap3A_338, %swap3A_339], %swap3A_342 {strides = array<i32>} : memref<8x128xf32, #tpu.memory_space<vmem>>, vector<1x16xf32>,
    %swap3A_343 = arith.constant 7 : i32
    %swap3A_344 = arith.index_cast %swap3A_343 : i32 to index
    %swap3A_345 = arith.constant 16 : index
    %swap3A_346 = tpu.vector_load %arg9[%swap3A_344, %swap3A_345] {strides = array<i32>} : memref<8x128xf32, #tpu.memory_space<vmem>>, vector<1x16xf32>,
    %swap3A_347 = vector.shape_cast %swap3A_346 : vector<1x16xf32> to vector<16xf32>
    %swap3A_348 = vector.shape_cast %broadcast_in_dim3A_1 : vector<16xf32> to vector<1x16xf32>
    tpu.vector_store %arg9[%swap3A_344, %swap3A_345], %swap3A_348 {strides = array<i32>} : memref<8x128xf32, #tpu.memory_space<vmem>>, vector<1x16xf32>,
    %swap3A_349 = arith.constant 7 : i32
    %swap3A_350 = arith.index_cast %swap3A_349 : i32 to index
    %swap3A_351 = arith.constant 32 : index
    %swap3A_352 = tpu.vector_load %arg9[%swap3A_350, %swap3A_351] {strides = array<i32>} : memref<8x128xf32, #tpu.memory_space<vmem>>, vector<1x16xf32>,
    %swap3A_353 = vector.shape_cast %swap3A_352 : vector<1x16xf32> to vector<16xf32>
    %swap3A_354 = vector.shape_cast %broadcast_in_dim3A_1 : vector<16xf32> to vector<1x16xf32>
    tpu.vector_store %arg9[%swap3A_350, %swap3A_351], %swap3A_354 {strides = array<i32>} : memref<8x128xf32, #tpu.memory_space<vmem>>, vector<1x16xf32>,
    %swap3A_355 = arith.constant 7 : i32
    %swap3A_356 = arith.index_cast %swap3A_355 : i32 to index
    %swap3A_357 = arith.constant 48 : index
    %swap3A_358 = tpu.vector_load %arg9[%swap3A_356, %swap3A_357] {strides = array<i32>} : memref<8x128xf32, #tpu.memory_space<vmem>>, vector<1x16xf32>,
    %swap3A_359 = vector.shape_cast %swap3A_358 : vector<1x16xf32> to vector<16xf32>
    %swap3A_360 = vector.shape_cast %broadcast_in_dim3A_1 : vector<16xf32> to vector<1x16xf32>
    tpu.vector_store %arg9[%swap3A_356, %swap3A_357], %swap3A_360 {strides = array<i32>} : memref<8x128xf32, #tpu.memory_space<vmem>>, vector<1x16xf32>,
    %swap3A_361 = arith.constant 7 : i32
    %swap3A_362 = arith.index_cast %swap3A_361 : i32 to index
    %swap3A_363 = arith.constant 64 : index
    %swap3A_364 = tpu.vector_load %arg9[%swap3A_362, %swap3A_363] {strides = array<i32>} : memref<8x128xf32, #tpu.memory_space<vmem>>, vector<1x16xf32>,
    %swap3A_365 = vector.shape_cast %swap3A_364 : vector<1x16xf32> to vector<16xf32>
    %swap3A_366 = vector.shape_cast %broadcast_in_dim3A_1 : vector<16xf32> to vector<1x16xf32>
    tpu.vector_store %arg9[%swap3A_362, %swap3A_363], %swap3A_366 {strides = array<i32>} : memref<8x128xf32, #tpu.memory_space<vmem>>, vector<1x16xf32>,
    %swap3A_367 = arith.constant 7 : i32
    %swap3A_368 = arith.index_cast %swap3A_367 : i32 to index
    %swap3A_369 = arith.constant 80 : index
    %swap3A_370 = tpu.vector_load %arg9[%swap3A_368, %swap3A_369] {strides = array<i32>} : memref<8x128xf32, #tpu.memory_space<vmem>>, vector<1x16xf32>,
    %swap3A_371 = vector.shape_cast %swap3A_370 : vector<1x16xf32> to vector<16xf32>
    %swap3A_372 = vector.shape_cast %broadcast_in_dim3A_1 : vector<16xf32> to vector<1x16xf32>
    tpu.vector_store %arg9[%swap3A_368, %swap3A_369], %swap3A_372 {strides = array<i32>} : memref<8x128xf32, #tpu.memory_space<vmem>>, vector<1x16xf32>,
    %swap3A_373 = arith.constant 7 : i32
    %swap3A_374 = arith.index_cast %swap3A_373 : i32 to index
    %swap3A_375 = arith.constant 96 : index
    %swap3A_376 = tpu.vector_load %arg9[%swap3A_374, %swap3A_375] {strides = array<i32>} : memref<8x128xf32, #tpu.memory_space<vmem>>, vector<1x16xf32>,
    %swap3A_377 = vector.shape_cast %swap3A_376 : vector<1x16xf32> to vector<16xf32>
    %swap3A_378 = vector.shape_cast %broadcast_in_dim3A_1 : vector<16xf32> to vector<1x16xf32>
    tpu.vector_store %arg9[%swap3A_374, %swap3A_375], %swap3A_378 {strides = array<i32>} : memref<8x128xf32, #tpu.memory_space<vmem>>, vector<1x16xf32>,
    %swap3A_379 = arith.constant 7 : i32
    %swap3A_380 = arith.index_cast %swap3A_379 : i32 to index
    %swap3A_381 = arith.constant 112 : index
    %swap3A_382 = tpu.vector_load %arg9[%swap3A_380, %swap3A_381] {strides = array<i32>} : memref<8x128xf32, #tpu.memory_space<vmem>>, vector<1x16xf32>,
    %swap3A_383 = vector.shape_cast %swap3A_382 : vector<1x16xf32> to vector<16xf32>
    %swap3A_384 = vector.shape_cast %broadcast_in_dim3A_1 : vector<16xf32> to vector<1x16xf32>
    tpu.vector_store %arg9[%swap3A_380, %swap3A_381], %swap3A_384 {strides = array<i32>} : memref<8x128xf32, #tpu.memory_space<vmem>>, vector<1x16xf32>,
    %scan3A = arith.constant 0 : i32
    %scan3A_385 = arith.constant 0 : i32
    %scan3A_386 = arith.constant 80 : i32
    %scan3A_387 = arith.addi %scan3A_385, %scan3A_386 : i32
    %scan3A_388 = arith.constant 1 : i32
    %scan3A_389 = scf.for %scan3A_401 = %scan3A_385 to %scan3A_387 step %scan3A_388 iter_args(%scan3A_402 = %scan3A) -> (i32)  : i32 {
      %mul3A_403 = arith.constant 640 : i32
      %mul3A_404 = arith.muli %arg1, %mul3A_403 : i32
      %mul3A_405 = arith.constant 8 : i32
      %mul3A_406 = arith.muli %scan3A_401, %mul3A_405 : i32
      %add3A_407 = arith.addi %mul3A_404, %mul3A_406 : i32
      "tpu.region"() ({
        %run_scoped3A = tpu.sem_alloc : memref<!tpu.dma_semaphore, #tpu.memory_space<semaphore_mem>>
        %dma_start3A = arith.constant 0 : i32
        %dma_start3A_409 = tpu.memref_slice %arg10[%add3A_407, %dma_start3A] : memref<10240x128xf32, #tpu.memory_space<vmem_shared>> -> memref<8x128xf32, #tpu.memory_space<vmem_shared>>
        %dma_start3A_410 = arith.constant 0 : i32
        %dma_start3A_411 = tpu.memref_slice %arg10[%add3A_407, %dma_start3A_410] : memref<10240x128xf32, #tpu.memory_space<vmem_shared>> -> memref<8x128xf32, #tpu.memory_space<vmem_shared>>
        tpu.enqueue_dma source(%arg9 : memref<8x128xf32, #tpu.memory_space<vmem>>) target(%dma_start3A_411 : memref<8x128xf32, #tpu.memory_space<vmem_shared>>) target_semaphore(%run_scoped3A : memref<!tpu.dma_semaphore, #tpu.memory_space<semaphore_mem>>)
        %dma_wait3A = arith.constant 0 : i32
        %dma_wait3A_412 = tpu.memref_slice %arg10[%add3A_407, %dma_wait3A] : memref<10240x128xf32, #tpu.memory_space<vmem_shared>> -> memref<8x128xf32, #tpu.memory_space<vmem_shared>>
        %dma_wait3A_413 = arith.constant 0 : i32
        %dma_wait3A_414 = tpu.memref_slice %arg10[%add3A_407, %dma_wait3A_413] : memref<10240x128xf32, #tpu.memory_space<vmem_shared>> -> memref<8x128xf32, #tpu.memory_space<vmem_shared>>
        tpu.wait_dma2 semaphore(%run_scoped3A : memref<!tpu.dma_semaphore, #tpu.memory_space<semaphore_mem>>) src(%arg9 : memref<8x128xf32, #tpu.memory_space<vmem>>) dst(%dma_wait3A_414 : memref<8x128xf32, #tpu.memory_space<vmem_shared>>)
        tpu.yield
      }) : () -> ()
      %scan3A_408 = arith.constant 0 : i32
      scf.yield %scan3A_408 : i32
    }
    %scan3A_390 = arith.constant 80 : i32
    %barrier3A = arith.constant 0 : index
    tpu.barrier barrier_id(%barrier3A)
    %scan3A_391 = arith.constant 0 : i32
    %scan3A_392 = arith.constant 0 : i32
    %scan3A_393 = arith.constant 79 : i32
    %scan3A_394 = arith.addi %scan3A_392, %scan3A_393 : i32
    %scan3A_395 = arith.constant 1 : i32
    %scan3A_396 = scf.for %scan3A_401 = %scan3A_392 to %scan3A_394 step %scan3A_395 iter_args(%scan3A_402 = %scan3A_391) -> (i32)  : i32 {
      %mul3A_403 = arith.constant 10112 : i32
      %mul3A_404 = arith.muli %add3A, %mul3A_403 : i32
      %mul3A_405 = arith.constant 128 : i32
      %mul3A_406 = arith.muli %scan3A_401, %mul3A_405 : i32
      %add3A_407 = arith.addi %mul3A_404, %mul3A_406 : i32
      "tpu.region"() ({
        %run_scoped3A = tpu.sem_alloc : memref<!tpu.dma_semaphore, #tpu.memory_space<semaphore_mem>>
        %dma_start3A_413 = tpu.memref_slice %arg2[%add3A_407] : memref<323584xi32, #tpu.memory_space<hbm>> -> memref<128xi32, #tpu.memory_space<hbm>>
        %dma_start3A_414 = tpu.memref_slice %arg2[%add3A_407] : memref<323584xi32, #tpu.memory_space<hbm>> -> memref<128xi32, #tpu.memory_space<hbm>>
        tpu.enqueue_dma source(%dma_start3A_414 : memref<128xi32, #tpu.memory_space<hbm>>) target(%arg6 : memref<128xi32, #tpu.memory_space<vmem>>) target_semaphore(%run_scoped3A : memref<!tpu.dma_semaphore, #tpu.memory_space<semaphore_mem>>)
        %dma_wait3A_415 = tpu.memref_slice %arg2[%add3A_407] : memref<323584xi32, #tpu.memory_space<hbm>> -> memref<128xi32, #tpu.memory_space<hbm>>
        %dma_wait3A_416 = tpu.memref_slice %arg2[%add3A_407] : memref<323584xi32, #tpu.memory_space<hbm>> -> memref<128xi32, #tpu.memory_space<hbm>>
        tpu.wait_dma2 semaphore(%run_scoped3A : memref<!tpu.dma_semaphore, #tpu.memory_space<semaphore_mem>>) src(%dma_wait3A_416 : memref<128xi32, #tpu.memory_space<hbm>>) dst(%arg6 : memref<128xi32, #tpu.memory_space<vmem>>)
        tpu.yield
      }) : () -> ()
      "tpu.region"() ({
        %run_scoped3A = tpu.sem_alloc : memref<!tpu.dma_semaphore, #tpu.memory_space<semaphore_mem>>
        %dma_start3A_413 = tpu.memref_slice %arg3[%add3A_407] : memref<323584xi32, #tpu.memory_space<hbm>> -> memref<128xi32, #tpu.memory_space<hbm>>
        %dma_start3A_414 = tpu.memref_slice %arg3[%add3A_407] : memref<323584xi32, #tpu.memory_space<hbm>> -> memref<128xi32, #tpu.memory_space<hbm>>
        tpu.enqueue_dma source(%dma_start3A_414 : memref<128xi32, #tpu.memory_space<hbm>>) target(%arg7 : memref<128xi32, #tpu.memory_space<vmem>>) target_semaphore(%run_scoped3A : memref<!tpu.dma_semaphore, #tpu.memory_space<semaphore_mem>>)
        %dma_wait3A_415 = tpu.memref_slice %arg3[%add3A_407] : memref<323584xi32, #tpu.memory_space<hbm>> -> memref<128xi32, #tpu.memory_space<hbm>>
        %dma_wait3A_416 = tpu.memref_slice %arg3[%add3A_407] : memref<323584xi32, #tpu.memory_space<hbm>> -> memref<128xi32, #tpu.memory_space<hbm>>
        tpu.wait_dma2 semaphore(%run_scoped3A : memref<!tpu.dma_semaphore, #tpu.memory_space<semaphore_mem>>) src(%dma_wait3A_416 : memref<128xi32, #tpu.memory_space<hbm>>) dst(%arg7 : memref<128xi32, #tpu.memory_space<vmem>>)
        tpu.yield
      }) : () -> ()
      %dma_start3A = arith.constant 0 : i32
      %dma_start3A_408 = arith.constant 0 : i32
      %dma_start3A_409 = tpu.memref_slice %arg4[%dma_start3A, %dma_start3A_408] : memref<10240x128xf32, #tpu.memory_space<hbm>> -> memref<10240x128xf32, #tpu.memory_space<hbm>>
      tpu.enqueue_indirect_dma source(%dma_start3A_409 : memref<10240x128xf32, #tpu.memory_space<hbm>>) target(%arg8 : memref<128x128xf32, #tpu.memory_space<vmem>>) offsets(%arg6 : memref<128xi32, #tpu.memory_space<vmem>>) semaphore(%arg11 : memref<!tpu.dma_semaphore, #tpu.memory_space<semaphore_mem>>)
      %dma_wait3A = arith.constant 0 : i32
      %dma_wait3A_410 = arith.constant 0 : i32
      %dma_wait3A_411 = tpu.memref_slice %arg4[%dma_wait3A, %dma_wait3A_410] : memref<10240x128xf32, #tpu.memory_space<hbm>> -> memref<10240x128xf32, #tpu.memory_space<hbm>>
      tpu.wait_indirect_dma semaphore(%arg11 : memref<!tpu.dma_semaphore, #tpu.memory_space<semaphore_mem>>) src(%dma_wait3A_411 : memref<10240x128xf32, #tpu.memory_space<hbm>>) dst(%arg8 : memref<128x128xf32, #tpu.memory_space<vmem>>)
      "tpu.region"() ({
        %run_scoped3A = tpu.sem_alloc : memref<!tpu.dma_semaphore, #tpu.memory_space<semaphore_mem>>
        %dma_start3A_413 = arith.constant 0 : i32
        %dma_start3A_414 = arith.constant 0 : i32
        %dma_start3A_415 = tpu.memref_slice %arg10[%dma_start3A_413, %dma_start3A_414] : memref<10240x128xf32, #tpu.memory_space<vmem_shared>> -> memref<10240x128xf32, #tpu.memory_space<vmem_shared>>
        tpu.enqueue_indirect_dma source(%arg8 : memref<128x128xf32, #tpu.memory_space<vmem>>) target(%dma_start3A_415 : memref<10240x128xf32, #tpu.memory_space<vmem_shared>>) offsets(%arg7 : memref<128xi32, #tpu.memory_space<vmem>>) semaphore(%run_scoped3A : memref<!tpu.dma_semaphore, #tpu.memory_space<semaphore_mem>>) {add = true}
        %dma_wait3A_416 = arith.constant 0 : i32
        %dma_wait3A_417 = arith.constant 0 : i32
        %dma_wait3A_418 = tpu.memref_slice %arg10[%dma_wait3A_416, %dma_wait3A_417] : memref<10240x128xf32, #tpu.memory_space<vmem_shared>> -> memref<10240x128xf32, #tpu.memory_space<vmem_shared>>
        tpu.wait_indirect_dma semaphore(%run_scoped3A : memref<!tpu.dma_semaphore, #tpu.memory_space<semaphore_mem>>) src(%arg8 : memref<128x128xf32, #tpu.memory_space<vmem>>) dst(%dma_wait3A_418 : memref<10240x128xf32, #tpu.memory_space<vmem_shared>>)
        tpu.yield
      }) : () -> ()
      %scan3A_412 = arith.constant 0 : i32
      scf.yield %scan3A_412 : i32
    }
    %scan3A_397 = arith.constant 79 : i32
    %barrier3A_398 = arith.constant 0 : index
    tpu.barrier barrier_id(%barrier3A_398)
    %mul3A_399 = arith.constant 640 : i32
    %mul3A_400 = arith.muli %arg1, %mul3A_399 : i32
    "tpu.region"() ({
      %run_scoped3A = tpu.sem_alloc : memref<!tpu.dma_semaphore, #tpu.memory_space<semaphore_mem>>
      %dma_start3A = arith.constant 0 : i32
      %dma_start3A_401 = tpu.memref_slice %arg5[%arg0, %mul3A_400, %dma_start3A] : memref<2x10240x128xf32, #tpu.memory_space<hbm>> -> memref<1x640x128xf32, #tpu.memory_space<hbm>>
      %dma_start3A_402 = tpu.memref_squeeze %dma_start3A_401 : memref<1x640x128xf32, #tpu.memory_space<hbm>> -> memref<640x128xf32, #tpu.memory_space<hbm>>
      %dma_start3A_403 = arith.constant 0 : i32
      %dma_start3A_404 = tpu.memref_slice %arg10[%mul3A_400, %dma_start3A_403] : memref<10240x128xf32, #tpu.memory_space<vmem_shared>> -> memref<640x128xf32, #tpu.memory_space<vmem_shared>>
      tpu.enqueue_dma source(%dma_start3A_404 : memref<640x128xf32, #tpu.memory_space<vmem_shared>>) target(%dma_start3A_402 : memref<640x128xf32, #tpu.memory_space<hbm>>) target_semaphore(%run_scoped3A : memref<!tpu.dma_semaphore, #tpu.memory_space<semaphore_mem>>)
      %dma_wait3A = arith.constant 0 : i32
      %dma_wait3A_405 = tpu.memref_slice %arg5[%arg0, %mul3A_400, %dma_wait3A] : memref<2x10240x128xf32, #tpu.memory_space<hbm>> -> memref<1x640x128xf32, #tpu.memory_space<hbm>>
      %dma_wait3A_406 = tpu.memref_squeeze %dma_wait3A_405 : memref<1x640x128xf32, #tpu.memory_space<hbm>> -> memref<640x128xf32, #tpu.memory_space<hbm>>
      %dma_wait3A_407 = arith.constant 0 : i32
      %dma_wait3A_408 = tpu.memref_slice %arg10[%mul3A_400, %dma_wait3A_407] : memref<10240x128xf32, #tpu.memory_space<vmem_shared>> -> memref<640x128xf32, #tpu.memory_space<vmem_shared>>
      tpu.wait_dma2 semaphore(%run_scoped3A : memref<!tpu.dma_semaphore, #tpu.memory_space<semaphore_mem>>) src(%dma_wait3A_408 : memref<640x128xf32, #tpu.memory_space<vmem_shared>>) dst(%dma_wait3A_406 : memref<640x128xf32, #tpu.memory_space<hbm>>)
      tpu.yield
    }) : () -> ()
    return
  }
}

#map = affine_map<(d0, d1) -> (0)>
#map1 = affine_map<(d0, d1) -> (0, 0)>
#map2 = affine_map<(d0, d1) -> (0, 0, 0)>
module attributes {stable_mosaic.version = 14 : i64} {
  func.func @_edge_kernel(%arg0: i32, %arg1: i32, %arg2: memref<323584xi32, #tpu.memory_space<hbm>>, %arg3: memref<323584xi32, #tpu.memory_space<hbm>>, %arg4: memref<10240x128xf32, #tpu.memory_space<hbm>>, %arg5: memref<2x10240x128xf32, #tpu.memory_space<hbm>>, %arg6: memref<128xi32, #tpu.memory_space<vmem>>, %arg7: memref<128xi32, #tpu.memory_space<vmem>>, %arg8: memref<128x128xf32, #tpu.memory_space<vmem>>, %arg9: memref<8x128xf32, #tpu.memory_space<vmem>>, %arg10: memref<10240x128xf32, #tpu.memory_space<vmem_shared>>, %arg11: memref<!tpu.dma_semaphore, #tpu.memory_space<semaphore_mem>>) attributes {dimension_semantics = [#tpu.dimension_semantics<core_parallel>, #tpu.dimension_semantics<subcore_parallel>], iteration_bounds = array<i64: 2, 16>, scalar_prefetch = 0 : i64, scratch_operands = 6 : i64, tpu.core_type = #tpu.core_type<sc_vector_subcore>, window_params = [{transform_indices = #map}, {transform_indices = #map}, {transform_indices = #map1}, {transform_indices = #map2}]} {
    %mul3A = arith.constant 2 : i32
    %mul3A_0 = arith.muli %arg1, %mul3A : i32
    %add3A = arith.addi %mul3A_0, %arg0 : i32
    %broadcast_in_dim3A = arith.constant 0.000000e+00 : f32
    %broadcast_in_dim3A_1 = vector.broadcast %broadcast_in_dim3A : f32 to vector<16xf32>
    %swap3A = arith.constant 0 : i32
    %swap3A_2 = arith.index_cast %swap3A : i32 to index
    %swap3A_3 = arith.constant 0 : index
    %swap3A_4 = tpu.vector_load %arg9[%swap3A_2, %swap3A_3] {strides = array<i32>} : memref<8x128xf32, #tpu.memory_space<vmem>>, vector<1x16xf32>,
    %swap3A_5 = vector.shape_cast %swap3A_4 : vector<1x16xf32> to vector<16xf32>
    %swap3A_6 = vector.shape_cast %broadcast_in_dim3A_1 : vector<16xf32> to vector<1x16xf32>
    tpu.vector_store %arg9[%swap3A_2, %swap3A_3], %swap3A_6 {strides = array<i32>} : memref<8x128xf32, #tpu.memory_space<vmem>>, vector<1x16xf32>,
    %swap3A_7 = arith.constant 0 : i32
    %swap3A_8 = arith.index_cast %swap3A_7 : i32 to index
    %swap3A_9 = arith.constant 16 : index
    %swap3A_10 = tpu.vector_load %arg9[%swap3A_8, %swap3A_9] {strides = array<i32>} : memref<8x128xf32, #tpu.memory_space<vmem>>, vector<1x16xf32>,
    %swap3A_11 = vector.shape_cast %swap3A_10 : vector<1x16xf32> to vector<16xf32>
    %swap3A_12 = vector.shape_cast %broadcast_in_dim3A_1 : vector<16xf32> to vector<1x16xf32>
    tpu.vector_store %arg9[%swap3A_8, %swap3A_9], %swap3A_12 {strides = array<i32>} : memref<8x128xf32, #tpu.memory_space<vmem>>, vector<1x16xf32>,
    %swap3A_13 = arith.constant 0 : i32
    %swap3A_14 = arith.index_cast %swap3A_13 : i32 to index
    %swap3A_15 = arith.constant 32 : index
    %swap3A_16 = tpu.vector_load %arg9[%swap3A_14, %swap3A_15] {strides = array<i32>} : memref<8x128xf32, #tpu.memory_space<vmem>>, vector<1x16xf32>,
    %swap3A_17 = vector.shape_cast %swap3A_16 : vector<1x16xf32> to vector<16xf32>
    %swap3A_18 = vector.shape_cast %broadcast_in_dim3A_1 : vector<16xf32> to vector<1x16xf32>
    tpu.vector_store %arg9[%swap3A_14, %swap3A_15], %swap3A_18 {strides = array<i32>} : memref<8x128xf32, #tpu.memory_space<vmem>>, vector<1x16xf32>,
    %swap3A_19 = arith.constant 0 : i32
    %swap3A_20 = arith.index_cast %swap3A_19 : i32 to index
    %swap3A_21 = arith.constant 48 : index
    %swap3A_22 = tpu.vector_load %arg9[%swap3A_20, %swap3A_21] {strides = array<i32>} : memref<8x128xf32, #tpu.memory_space<vmem>>, vector<1x16xf32>,
    %swap3A_23 = vector.shape_cast %swap3A_22 : vector<1x16xf32> to vector<16xf32>
    %swap3A_24 = vector.shape_cast %broadcast_in_dim3A_1 : vector<16xf32> to vector<1x16xf32>
    tpu.vector_store %arg9[%swap3A_20, %swap3A_21], %swap3A_24 {strides = array<i32>} : memref<8x128xf32, #tpu.memory_space<vmem>>, vector<1x16xf32>,
    %swap3A_25 = arith.constant 0 : i32
    %swap3A_26 = arith.index_cast %swap3A_25 : i32 to index
    %swap3A_27 = arith.constant 64 : index
    %swap3A_28 = tpu.vector_load %arg9[%swap3A_26, %swap3A_27] {strides = array<i32>} : memref<8x128xf32, #tpu.memory_space<vmem>>, vector<1x16xf32>,
    %swap3A_29 = vector.shape_cast %swap3A_28 : vector<1x16xf32> to vector<16xf32>
    %swap3A_30 = vector.shape_cast %broadcast_in_dim3A_1 : vector<16xf32> to vector<1x16xf32>
    tpu.vector_store %arg9[%swap3A_26, %swap3A_27], %swap3A_30 {strides = array<i32>} : memref<8x128xf32, #tpu.memory_space<vmem>>, vector<1x16xf32>,
    %swap3A_31 = arith.constant 0 : i32
    %swap3A_32 = arith.index_cast %swap3A_31 : i32 to index
    %swap3A_33 = arith.constant 80 : index
    %swap3A_34 = tpu.vector_load %arg9[%swap3A_32, %swap3A_33] {strides = array<i32>} : memref<8x128xf32, #tpu.memory_space<vmem>>, vector<1x16xf32>,
    %swap3A_35 = vector.shape_cast %swap3A_34 : vector<1x16xf32> to vector<16xf32>
    %swap3A_36 = vector.shape_cast %broadcast_in_dim3A_1 : vector<16xf32> to vector<1x16xf32>
    tpu.vector_store %arg9[%swap3A_32, %swap3A_33], %swap3A_36 {strides = array<i32>} : memref<8x128xf32, #tpu.memory_space<vmem>>, vector<1x16xf32>,
    %swap3A_37 = arith.constant 0 : i32
    %swap3A_38 = arith.index_cast %swap3A_37 : i32 to index
    %swap3A_39 = arith.constant 96 : index
    %swap3A_40 = tpu.vector_load %arg9[%swap3A_38, %swap3A_39] {strides = array<i32>} : memref<8x128xf32, #tpu.memory_space<vmem>>, vector<1x16xf32>,
    %swap3A_41 = vector.shape_cast %swap3A_40 : vector<1x16xf32> to vector<16xf32>
    %swap3A_42 = vector.shape_cast %broadcast_in_dim3A_1 : vector<16xf32> to vector<1x16xf32>
    tpu.vector_store %arg9[%swap3A_38, %swap3A_39], %swap3A_42 {strides = array<i32>} : memref<8x128xf32, #tpu.memory_space<vmem>>, vector<1x16xf32>,
    %swap3A_43 = arith.constant 0 : i32
    %swap3A_44 = arith.index_cast %swap3A_43 : i32 to index
    %swap3A_45 = arith.constant 112 : index
    %swap3A_46 = tpu.vector_load %arg9[%swap3A_44, %swap3A_45] {strides = array<i32>} : memref<8x128xf32, #tpu.memory_space<vmem>>, vector<1x16xf32>,
    %swap3A_47 = vector.shape_cast %swap3A_46 : vector<1x16xf32> to vector<16xf32>
    %swap3A_48 = vector.shape_cast %broadcast_in_dim3A_1 : vector<16xf32> to vector<1x16xf32>
    tpu.vector_store %arg9[%swap3A_44, %swap3A_45], %swap3A_48 {strides = array<i32>} : memref<8x128xf32, #tpu.memory_space<vmem>>, vector<1x16xf32>,
    %swap3A_49 = arith.constant 1 : i32
    %swap3A_50 = arith.index_cast %swap3A_49 : i32 to index
    %swap3A_51 = arith.constant 0 : index
    %swap3A_52 = tpu.vector_load %arg9[%swap3A_50, %swap3A_51] {strides = array<i32>} : memref<8x128xf32, #tpu.memory_space<vmem>>, vector<1x16xf32>,
    %swap3A_53 = vector.shape_cast %swap3A_52 : vector<1x16xf32> to vector<16xf32>
    %swap3A_54 = vector.shape_cast %broadcast_in_dim3A_1 : vector<16xf32> to vector<1x16xf32>
    tpu.vector_store %arg9[%swap3A_50, %swap3A_51], %swap3A_54 {strides = array<i32>} : memref<8x128xf32, #tpu.memory_space<vmem>>, vector<1x16xf32>,
    %swap3A_55 = arith.constant 1 : i32
    %swap3A_56 = arith.index_cast %swap3A_55 : i32 to index
    %swap3A_57 = arith.constant 16 : index
    %swap3A_58 = tpu.vector_load %arg9[%swap3A_56, %swap3A_57] {strides = array<i32>} : memref<8x128xf32, #tpu.memory_space<vmem>>, vector<1x16xf32>,
    %swap3A_59 = vector.shape_cast %swap3A_58 : vector<1x16xf32> to vector<16xf32>
    %swap3A_60 = vector.shape_cast %broadcast_in_dim3A_1 : vector<16xf32> to vector<1x16xf32>
    tpu.vector_store %arg9[%swap3A_56, %swap3A_57], %swap3A_60 {strides = array<i32>} : memref<8x128xf32, #tpu.memory_space<vmem>>, vector<1x16xf32>,
    %swap3A_61 = arith.constant 1 : i32
    %swap3A_62 = arith.index_cast %swap3A_61 : i32 to index
    %swap3A_63 = arith.constant 32 : index
    %swap3A_64 = tpu.vector_load %arg9[%swap3A_62, %swap3A_63] {strides = array<i32>} : memref<8x128xf32, #tpu.memory_space<vmem>>, vector<1x16xf32>,
    %swap3A_65 = vector.shape_cast %swap3A_64 : vector<1x16xf32> to vector<16xf32>
    %swap3A_66 = vector.shape_cast %broadcast_in_dim3A_1 : vector<16xf32> to vector<1x16xf32>
    tpu.vector_store %arg9[%swap3A_62, %swap3A_63], %swap3A_66 {strides = array<i32>} : memref<8x128xf32, #tpu.memory_space<vmem>>, vector<1x16xf32>,
    %swap3A_67 = arith.constant 1 : i32
    %swap3A_68 = arith.index_cast %swap3A_67 : i32 to index
    %swap3A_69 = arith.constant 48 : index
    %swap3A_70 = tpu.vector_load %arg9[%swap3A_68, %swap3A_69] {strides = array<i32>} : memref<8x128xf32, #tpu.memory_space<vmem>>, vector<1x16xf32>,
    %swap3A_71 = vector.shape_cast %swap3A_70 : vector<1x16xf32> to vector<16xf32>
    %swap3A_72 = vector.shape_cast %broadcast_in_dim3A_1 : vector<16xf32> to vector<1x16xf32>
    tpu.vector_store %arg9[%swap3A_68, %swap3A_69], %swap3A_72 {strides = array<i32>} : memref<8x128xf32, #tpu.memory_space<vmem>>, vector<1x16xf32>,
    %swap3A_73 = arith.constant 1 : i32
    %swap3A_74 = arith.index_cast %swap3A_73 : i32 to index
    %swap3A_75 = arith.constant 64 : index
    %swap3A_76 = tpu.vector_load %arg9[%swap3A_74, %swap3A_75] {strides = array<i32>} : memref<8x128xf32, #tpu.memory_space<vmem>>, vector<1x16xf32>,
    %swap3A_77 = vector.shape_cast %swap3A_76 : vector<1x16xf32> to vector<16xf32>
    %swap3A_78 = vector.shape_cast %broadcast_in_dim3A_1 : vector<16xf32> to vector<1x16xf32>
    tpu.vector_store %arg9[%swap3A_74, %swap3A_75], %swap3A_78 {strides = array<i32>} : memref<8x128xf32, #tpu.memory_space<vmem>>, vector<1x16xf32>,
    %swap3A_79 = arith.constant 1 : i32
    %swap3A_80 = arith.index_cast %swap3A_79 : i32 to index
    %swap3A_81 = arith.constant 80 : index
    %swap3A_82 = tpu.vector_load %arg9[%swap3A_80, %swap3A_81] {strides = array<i32>} : memref<8x128xf32, #tpu.memory_space<vmem>>, vector<1x16xf32>,
    %swap3A_83 = vector.shape_cast %swap3A_82 : vector<1x16xf32> to vector<16xf32>
    %swap3A_84 = vector.shape_cast %broadcast_in_dim3A_1 : vector<16xf32> to vector<1x16xf32>
    tpu.vector_store %arg9[%swap3A_80, %swap3A_81], %swap3A_84 {strides = array<i32>} : memref<8x128xf32, #tpu.memory_space<vmem>>, vector<1x16xf32>,
    %swap3A_85 = arith.constant 1 : i32
    %swap3A_86 = arith.index_cast %swap3A_85 : i32 to index
    %swap3A_87 = arith.constant 96 : index
    %swap3A_88 = tpu.vector_load %arg9[%swap3A_86, %swap3A_87] {strides = array<i32>} : memref<8x128xf32, #tpu.memory_space<vmem>>, vector<1x16xf32>,
    %swap3A_89 = vector.shape_cast %swap3A_88 : vector<1x16xf32> to vector<16xf32>
    %swap3A_90 = vector.shape_cast %broadcast_in_dim3A_1 : vector<16xf32> to vector<1x16xf32>
    tpu.vector_store %arg9[%swap3A_86, %swap3A_87], %swap3A_90 {strides = array<i32>} : memref<8x128xf32, #tpu.memory_space<vmem>>, vector<1x16xf32>,
    %swap3A_91 = arith.constant 1 : i32
    %swap3A_92 = arith.index_cast %swap3A_91 : i32 to index
    %swap3A_93 = arith.constant 112 : index
    %swap3A_94 = tpu.vector_load %arg9[%swap3A_92, %swap3A_93] {strides = array<i32>} : memref<8x128xf32, #tpu.memory_space<vmem>>, vector<1x16xf32>,
    %swap3A_95 = vector.shape_cast %swap3A_94 : vector<1x16xf32> to vector<16xf32>
    %swap3A_96 = vector.shape_cast %broadcast_in_dim3A_1 : vector<16xf32> to vector<1x16xf32>
    tpu.vector_store %arg9[%swap3A_92, %swap3A_93], %swap3A_96 {strides = array<i32>} : memref<8x128xf32, #tpu.memory_space<vmem>>, vector<1x16xf32>,
    %swap3A_97 = arith.constant 2 : i32
    %swap3A_98 = arith.index_cast %swap3A_97 : i32 to index
    %swap3A_99 = arith.constant 0 : index
    %swap3A_100 = tpu.vector_load %arg9[%swap3A_98, %swap3A_99] {strides = array<i32>} : memref<8x128xf32, #tpu.memory_space<vmem>>, vector<1x16xf32>,
    %swap3A_101 = vector.shape_cast %swap3A_100 : vector<1x16xf32> to vector<16xf32>
    %swap3A_102 = vector.shape_cast %broadcast_in_dim3A_1 : vector<16xf32> to vector<1x16xf32>
    tpu.vector_store %arg9[%swap3A_98, %swap3A_99], %swap3A_102 {strides = array<i32>} : memref<8x128xf32, #tpu.memory_space<vmem>>, vector<1x16xf32>,
    %swap3A_103 = arith.constant 2 : i32
    %swap3A_104 = arith.index_cast %swap3A_103 : i32 to index
    %swap3A_105 = arith.constant 16 : index
    %swap3A_106 = tpu.vector_load %arg9[%swap3A_104, %swap3A_105] {strides = array<i32>} : memref<8x128xf32, #tpu.memory_space<vmem>>, vector<1x16xf32>,
    %swap3A_107 = vector.shape_cast %swap3A_106 : vector<1x16xf32> to vector<16xf32>
    %swap3A_108 = vector.shape_cast %broadcast_in_dim3A_1 : vector<16xf32> to vector<1x16xf32>
    tpu.vector_store %arg9[%swap3A_104, %swap3A_105], %swap3A_108 {strides = array<i32>} : memref<8x128xf32, #tpu.memory_space<vmem>>, vector<1x16xf32>,
    %swap3A_109 = arith.constant 2 : i32
    %swap3A_110 = arith.index_cast %swap3A_109 : i32 to index
    %swap3A_111 = arith.constant 32 : index
    %swap3A_112 = tpu.vector_load %arg9[%swap3A_110, %swap3A_111] {strides = array<i32>} : memref<8x128xf32, #tpu.memory_space<vmem>>, vector<1x16xf32>,
    %swap3A_113 = vector.shape_cast %swap3A_112 : vector<1x16xf32> to vector<16xf32>
    %swap3A_114 = vector.shape_cast %broadcast_in_dim3A_1 : vector<16xf32> to vector<1x16xf32>
    tpu.vector_store %arg9[%swap3A_110, %swap3A_111], %swap3A_114 {strides = array<i32>} : memref<8x128xf32, #tpu.memory_space<vmem>>, vector<1x16xf32>,
    %swap3A_115 = arith.constant 2 : i32
    %swap3A_116 = arith.index_cast %swap3A_115 : i32 to index
    %swap3A_117 = arith.constant 48 : index
    %swap3A_118 = tpu.vector_load %arg9[%swap3A_116, %swap3A_117] {strides = array<i32>} : memref<8x128xf32, #tpu.memory_space<vmem>>, vector<1x16xf32>,
    %swap3A_119 = vector.shape_cast %swap3A_118 : vector<1x16xf32> to vector<16xf32>
    %swap3A_120 = vector.shape_cast %broadcast_in_dim3A_1 : vector<16xf32> to vector<1x16xf32>
    tpu.vector_store %arg9[%swap3A_116, %swap3A_117], %swap3A_120 {strides = array<i32>} : memref<8x128xf32, #tpu.memory_space<vmem>>, vector<1x16xf32>,
    %swap3A_121 = arith.constant 2 : i32
    %swap3A_122 = arith.index_cast %swap3A_121 : i32 to index
    %swap3A_123 = arith.constant 64 : index
    %swap3A_124 = tpu.vector_load %arg9[%swap3A_122, %swap3A_123] {strides = array<i32>} : memref<8x128xf32, #tpu.memory_space<vmem>>, vector<1x16xf32>,
    %swap3A_125 = vector.shape_cast %swap3A_124 : vector<1x16xf32> to vector<16xf32>
    %swap3A_126 = vector.shape_cast %broadcast_in_dim3A_1 : vector<16xf32> to vector<1x16xf32>
    tpu.vector_store %arg9[%swap3A_122, %swap3A_123], %swap3A_126 {strides = array<i32>} : memref<8x128xf32, #tpu.memory_space<vmem>>, vector<1x16xf32>,
    %swap3A_127 = arith.constant 2 : i32
    %swap3A_128 = arith.index_cast %swap3A_127 : i32 to index
    %swap3A_129 = arith.constant 80 : index
    %swap3A_130 = tpu.vector_load %arg9[%swap3A_128, %swap3A_129] {strides = array<i32>} : memref<8x128xf32, #tpu.memory_space<vmem>>, vector<1x16xf32>,
    %swap3A_131 = vector.shape_cast %swap3A_130 : vector<1x16xf32> to vector<16xf32>
    %swap3A_132 = vector.shape_cast %broadcast_in_dim3A_1 : vector<16xf32> to vector<1x16xf32>
    tpu.vector_store %arg9[%swap3A_128, %swap3A_129], %swap3A_132 {strides = array<i32>} : memref<8x128xf32, #tpu.memory_space<vmem>>, vector<1x16xf32>,
    %swap3A_133 = arith.constant 2 : i32
    %swap3A_134 = arith.index_cast %swap3A_133 : i32 to index
    %swap3A_135 = arith.constant 96 : index
    %swap3A_136 = tpu.vector_load %arg9[%swap3A_134, %swap3A_135] {strides = array<i32>} : memref<8x128xf32, #tpu.memory_space<vmem>>, vector<1x16xf32>,
    %swap3A_137 = vector.shape_cast %swap3A_136 : vector<1x16xf32> to vector<16xf32>
    %swap3A_138 = vector.shape_cast %broadcast_in_dim3A_1 : vector<16xf32> to vector<1x16xf32>
    tpu.vector_store %arg9[%swap3A_134, %swap3A_135], %swap3A_138 {strides = array<i32>} : memref<8x128xf32, #tpu.memory_space<vmem>>, vector<1x16xf32>,
    %swap3A_139 = arith.constant 2 : i32
    %swap3A_140 = arith.index_cast %swap3A_139 : i32 to index
    %swap3A_141 = arith.constant 112 : index
    %swap3A_142 = tpu.vector_load %arg9[%swap3A_140, %swap3A_141] {strides = array<i32>} : memref<8x128xf32, #tpu.memory_space<vmem>>, vector<1x16xf32>,
    %swap3A_143 = vector.shape_cast %swap3A_142 : vector<1x16xf32> to vector<16xf32>
    %swap3A_144 = vector.shape_cast %broadcast_in_dim3A_1 : vector<16xf32> to vector<1x16xf32>
    tpu.vector_store %arg9[%swap3A_140, %swap3A_141], %swap3A_144 {strides = array<i32>} : memref<8x128xf32, #tpu.memory_space<vmem>>, vector<1x16xf32>,
    %swap3A_145 = arith.constant 3 : i32
    %swap3A_146 = arith.index_cast %swap3A_145 : i32 to index
    %swap3A_147 = arith.constant 0 : index
    %swap3A_148 = tpu.vector_load %arg9[%swap3A_146, %swap3A_147] {strides = array<i32>} : memref<8x128xf32, #tpu.memory_space<vmem>>, vector<1x16xf32>,
    %swap3A_149 = vector.shape_cast %swap3A_148 : vector<1x16xf32> to vector<16xf32>
    %swap3A_150 = vector.shape_cast %broadcast_in_dim3A_1 : vector<16xf32> to vector<1x16xf32>
    tpu.vector_store %arg9[%swap3A_146, %swap3A_147], %swap3A_150 {strides = array<i32>} : memref<8x128xf32, #tpu.memory_space<vmem>>, vector<1x16xf32>,
    %swap3A_151 = arith.constant 3 : i32
    %swap3A_152 = arith.index_cast %swap3A_151 : i32 to index
    %swap3A_153 = arith.constant 16 : index
    %swap3A_154 = tpu.vector_load %arg9[%swap3A_152, %swap3A_153] {strides = array<i32>} : memref<8x128xf32, #tpu.memory_space<vmem>>, vector<1x16xf32>,
    %swap3A_155 = vector.shape_cast %swap3A_154 : vector<1x16xf32> to vector<16xf32>
    %swap3A_156 = vector.shape_cast %broadcast_in_dim3A_1 : vector<16xf32> to vector<1x16xf32>
    tpu.vector_store %arg9[%swap3A_152, %swap3A_153], %swap3A_156 {strides = array<i32>} : memref<8x128xf32, #tpu.memory_space<vmem>>, vector<1x16xf32>,
    %swap3A_157 = arith.constant 3 : i32
    %swap3A_158 = arith.index_cast %swap3A_157 : i32 to index
    %swap3A_159 = arith.constant 32 : index
    %swap3A_160 = tpu.vector_load %arg9[%swap3A_158, %swap3A_159] {strides = array<i32>} : memref<8x128xf32, #tpu.memory_space<vmem>>, vector<1x16xf32>,
    %swap3A_161 = vector.shape_cast %swap3A_160 : vector<1x16xf32> to vector<16xf32>
    %swap3A_162 = vector.shape_cast %broadcast_in_dim3A_1 : vector<16xf32> to vector<1x16xf32>
    tpu.vector_store %arg9[%swap3A_158, %swap3A_159], %swap3A_162 {strides = array<i32>} : memref<8x128xf32, #tpu.memory_space<vmem>>, vector<1x16xf32>,
    %swap3A_163 = arith.constant 3 : i32
    %swap3A_164 = arith.index_cast %swap3A_163 : i32 to index
    %swap3A_165 = arith.constant 48 : index
    %swap3A_166 = tpu.vector_load %arg9[%swap3A_164, %swap3A_165] {strides = array<i32>} : memref<8x128xf32, #tpu.memory_space<vmem>>, vector<1x16xf32>,
    %swap3A_167 = vector.shape_cast %swap3A_166 : vector<1x16xf32> to vector<16xf32>
    %swap3A_168 = vector.shape_cast %broadcast_in_dim3A_1 : vector<16xf32> to vector<1x16xf32>
    tpu.vector_store %arg9[%swap3A_164, %swap3A_165], %swap3A_168 {strides = array<i32>} : memref<8x128xf32, #tpu.memory_space<vmem>>, vector<1x16xf32>,
    %swap3A_169 = arith.constant 3 : i32
    %swap3A_170 = arith.index_cast %swap3A_169 : i32 to index
    %swap3A_171 = arith.constant 64 : index
    %swap3A_172 = tpu.vector_load %arg9[%swap3A_170, %swap3A_171] {strides = array<i32>} : memref<8x128xf32, #tpu.memory_space<vmem>>, vector<1x16xf32>,
    %swap3A_173 = vector.shape_cast %swap3A_172 : vector<1x16xf32> to vector<16xf32>
    %swap3A_174 = vector.shape_cast %broadcast_in_dim3A_1 : vector<16xf32> to vector<1x16xf32>
    tpu.vector_store %arg9[%swap3A_170, %swap3A_171], %swap3A_174 {strides = array<i32>} : memref<8x128xf32, #tpu.memory_space<vmem>>, vector<1x16xf32>,
    %swap3A_175 = arith.constant 3 : i32
    %swap3A_176 = arith.index_cast %swap3A_175 : i32 to index
    %swap3A_177 = arith.constant 80 : index
    %swap3A_178 = tpu.vector_load %arg9[%swap3A_176, %swap3A_177] {strides = array<i32>} : memref<8x128xf32, #tpu.memory_space<vmem>>, vector<1x16xf32>,
    %swap3A_179 = vector.shape_cast %swap3A_178 : vector<1x16xf32> to vector<16xf32>
    %swap3A_180 = vector.shape_cast %broadcast_in_dim3A_1 : vector<16xf32> to vector<1x16xf32>
    tpu.vector_store %arg9[%swap3A_176, %swap3A_177], %swap3A_180 {strides = array<i32>} : memref<8x128xf32, #tpu.memory_space<vmem>>, vector<1x16xf32>,
    %swap3A_181 = arith.constant 3 : i32
    %swap3A_182 = arith.index_cast %swap3A_181 : i32 to index
    %swap3A_183 = arith.constant 96 : index
    %swap3A_184 = tpu.vector_load %arg9[%swap3A_182, %swap3A_183] {strides = array<i32>} : memref<8x128xf32, #tpu.memory_space<vmem>>, vector<1x16xf32>,
    %swap3A_185 = vector.shape_cast %swap3A_184 : vector<1x16xf32> to vector<16xf32>
    %swap3A_186 = vector.shape_cast %broadcast_in_dim3A_1 : vector<16xf32> to vector<1x16xf32>
    tpu.vector_store %arg9[%swap3A_182, %swap3A_183], %swap3A_186 {strides = array<i32>} : memref<8x128xf32, #tpu.memory_space<vmem>>, vector<1x16xf32>,
    %swap3A_187 = arith.constant 3 : i32
    %swap3A_188 = arith.index_cast %swap3A_187 : i32 to index
    %swap3A_189 = arith.constant 112 : index
    %swap3A_190 = tpu.vector_load %arg9[%swap3A_188, %swap3A_189] {strides = array<i32>} : memref<8x128xf32, #tpu.memory_space<vmem>>, vector<1x16xf32>,
    %swap3A_191 = vector.shape_cast %swap3A_190 : vector<1x16xf32> to vector<16xf32>
    %swap3A_192 = vector.shape_cast %broadcast_in_dim3A_1 : vector<16xf32> to vector<1x16xf32>
    tpu.vector_store %arg9[%swap3A_188, %swap3A_189], %swap3A_192 {strides = array<i32>} : memref<8x128xf32, #tpu.memory_space<vmem>>, vector<1x16xf32>,
    %swap3A_193 = arith.constant 4 : i32
    %swap3A_194 = arith.index_cast %swap3A_193 : i32 to index
    %swap3A_195 = arith.constant 0 : index
    %swap3A_196 = tpu.vector_load %arg9[%swap3A_194, %swap3A_195] {strides = array<i32>} : memref<8x128xf32, #tpu.memory_space<vmem>>, vector<1x16xf32>,
    %swap3A_197 = vector.shape_cast %swap3A_196 : vector<1x16xf32> to vector<16xf32>
    %swap3A_198 = vector.shape_cast %broadcast_in_dim3A_1 : vector<16xf32> to vector<1x16xf32>
    tpu.vector_store %arg9[%swap3A_194, %swap3A_195], %swap3A_198 {strides = array<i32>} : memref<8x128xf32, #tpu.memory_space<vmem>>, vector<1x16xf32>,
    %swap3A_199 = arith.constant 4 : i32
    %swap3A_200 = arith.index_cast %swap3A_199 : i32 to index
    %swap3A_201 = arith.constant 16 : index
    %swap3A_202 = tpu.vector_load %arg9[%swap3A_200, %swap3A_201] {strides = array<i32>} : memref<8x128xf32, #tpu.memory_space<vmem>>, vector<1x16xf32>,
    %swap3A_203 = vector.shape_cast %swap3A_202 : vector<1x16xf32> to vector<16xf32>
    %swap3A_204 = vector.shape_cast %broadcast_in_dim3A_1 : vector<16xf32> to vector<1x16xf32>
    tpu.vector_store %arg9[%swap3A_200, %swap3A_201], %swap3A_204 {strides = array<i32>} : memref<8x128xf32, #tpu.memory_space<vmem>>, vector<1x16xf32>,
    %swap3A_205 = arith.constant 4 : i32
    %swap3A_206 = arith.index_cast %swap3A_205 : i32 to index
    %swap3A_207 = arith.constant 32 : index
    %swap3A_208 = tpu.vector_load %arg9[%swap3A_206, %swap3A_207] {strides = array<i32>} : memref<8x128xf32, #tpu.memory_space<vmem>>, vector<1x16xf32>,
    %swap3A_209 = vector.shape_cast %swap3A_208 : vector<1x16xf32> to vector<16xf32>
    %swap3A_210 = vector.shape_cast %broadcast_in_dim3A_1 : vector<16xf32> to vector<1x16xf32>
    tpu.vector_store %arg9[%swap3A_206, %swap3A_207], %swap3A_210 {strides = array<i32>} : memref<8x128xf32, #tpu.memory_space<vmem>>, vector<1x16xf32>,
    %swap3A_211 = arith.constant 4 : i32
    %swap3A_212 = arith.index_cast %swap3A_211 : i32 to index
    %swap3A_213 = arith.constant 48 : index
    %swap3A_214 = tpu.vector_load %arg9[%swap3A_212, %swap3A_213] {strides = array<i32>} : memref<8x128xf32, #tpu.memory_space<vmem>>, vector<1x16xf32>,
    %swap3A_215 = vector.shape_cast %swap3A_214 : vector<1x16xf32> to vector<16xf32>
    %swap3A_216 = vector.shape_cast %broadcast_in_dim3A_1 : vector<16xf32> to vector<1x16xf32>
    tpu.vector_store %arg9[%swap3A_212, %swap3A_213], %swap3A_216 {strides = array<i32>} : memref<8x128xf32, #tpu.memory_space<vmem>>, vector<1x16xf32>,
    %swap3A_217 = arith.constant 4 : i32
    %swap3A_218 = arith.index_cast %swap3A_217 : i32 to index
    %swap3A_219 = arith.constant 64 : index
    %swap3A_220 = tpu.vector_load %arg9[%swap3A_218, %swap3A_219] {strides = array<i32>} : memref<8x128xf32, #tpu.memory_space<vmem>>, vector<1x16xf32>,
    %swap3A_221 = vector.shape_cast %swap3A_220 : vector<1x16xf32> to vector<16xf32>
    %swap3A_222 = vector.shape_cast %broadcast_in_dim3A_1 : vector<16xf32> to vector<1x16xf32>
    tpu.vector_store %arg9[%swap3A_218, %swap3A_219], %swap3A_222 {strides = array<i32>} : memref<8x128xf32, #tpu.memory_space<vmem>>, vector<1x16xf32>,
    %swap3A_223 = arith.constant 4 : i32
    %swap3A_224 = arith.index_cast %swap3A_223 : i32 to index
    %swap3A_225 = arith.constant 80 : index
    %swap3A_226 = tpu.vector_load %arg9[%swap3A_224, %swap3A_225] {strides = array<i32>} : memref<8x128xf32, #tpu.memory_space<vmem>>, vector<1x16xf32>,
    %swap3A_227 = vector.shape_cast %swap3A_226 : vector<1x16xf32> to vector<16xf32>
    %swap3A_228 = vector.shape_cast %broadcast_in_dim3A_1 : vector<16xf32> to vector<1x16xf32>
    tpu.vector_store %arg9[%swap3A_224, %swap3A_225], %swap3A_228 {strides = array<i32>} : memref<8x128xf32, #tpu.memory_space<vmem>>, vector<1x16xf32>,
    %swap3A_229 = arith.constant 4 : i32
    %swap3A_230 = arith.index_cast %swap3A_229 : i32 to index
    %swap3A_231 = arith.constant 96 : index
    %swap3A_232 = tpu.vector_load %arg9[%swap3A_230, %swap3A_231] {strides = array<i32>} : memref<8x128xf32, #tpu.memory_space<vmem>>, vector<1x16xf32>,
    %swap3A_233 = vector.shape_cast %swap3A_232 : vector<1x16xf32> to vector<16xf32>
    %swap3A_234 = vector.shape_cast %broadcast_in_dim3A_1 : vector<16xf32> to vector<1x16xf32>
    tpu.vector_store %arg9[%swap3A_230, %swap3A_231], %swap3A_234 {strides = array<i32>} : memref<8x128xf32, #tpu.memory_space<vmem>>, vector<1x16xf32>,
    %swap3A_235 = arith.constant 4 : i32
    %swap3A_236 = arith.index_cast %swap3A_235 : i32 to index
    %swap3A_237 = arith.constant 112 : index
    %swap3A_238 = tpu.vector_load %arg9[%swap3A_236, %swap3A_237] {strides = array<i32>} : memref<8x128xf32, #tpu.memory_space<vmem>>, vector<1x16xf32>,
    %swap3A_239 = vector.shape_cast %swap3A_238 : vector<1x16xf32> to vector<16xf32>
    %swap3A_240 = vector.shape_cast %broadcast_in_dim3A_1 : vector<16xf32> to vector<1x16xf32>
    tpu.vector_store %arg9[%swap3A_236, %swap3A_237], %swap3A_240 {strides = array<i32>} : memref<8x128xf32, #tpu.memory_space<vmem>>, vector<1x16xf32>,
    %swap3A_241 = arith.constant 5 : i32
    %swap3A_242 = arith.index_cast %swap3A_241 : i32 to index
    %swap3A_243 = arith.constant 0 : index
    %swap3A_244 = tpu.vector_load %arg9[%swap3A_242, %swap3A_243] {strides = array<i32>} : memref<8x128xf32, #tpu.memory_space<vmem>>, vector<1x16xf32>,
    %swap3A_245 = vector.shape_cast %swap3A_244 : vector<1x16xf32> to vector<16xf32>
    %swap3A_246 = vector.shape_cast %broadcast_in_dim3A_1 : vector<16xf32> to vector<1x16xf32>
    tpu.vector_store %arg9[%swap3A_242, %swap3A_243], %swap3A_246 {strides = array<i32>} : memref<8x128xf32, #tpu.memory_space<vmem>>, vector<1x16xf32>,
    %swap3A_247 = arith.constant 5 : i32
    %swap3A_248 = arith.index_cast %swap3A_247 : i32 to index
    %swap3A_249 = arith.constant 16 : index
    %swap3A_250 = tpu.vector_load %arg9[%swap3A_248, %swap3A_249] {strides = array<i32>} : memref<8x128xf32, #tpu.memory_space<vmem>>, vector<1x16xf32>,
    %swap3A_251 = vector.shape_cast %swap3A_250 : vector<1x16xf32> to vector<16xf32>
    %swap3A_252 = vector.shape_cast %broadcast_in_dim3A_1 : vector<16xf32> to vector<1x16xf32>
    tpu.vector_store %arg9[%swap3A_248, %swap3A_249], %swap3A_252 {strides = array<i32>} : memref<8x128xf32, #tpu.memory_space<vmem>>, vector<1x16xf32>,
    %swap3A_253 = arith.constant 5 : i32
    %swap3A_254 = arith.index_cast %swap3A_253 : i32 to index
    %swap3A_255 = arith.constant 32 : index
    %swap3A_256 = tpu.vector_load %arg9[%swap3A_254, %swap3A_255] {strides = array<i32>} : memref<8x128xf32, #tpu.memory_space<vmem>>, vector<1x16xf32>,
    %swap3A_257 = vector.shape_cast %swap3A_256 : vector<1x16xf32> to vector<16xf32>
    %swap3A_258 = vector.shape_cast %broadcast_in_dim3A_1 : vector<16xf32> to vector<1x16xf32>
    tpu.vector_store %arg9[%swap3A_254, %swap3A_255], %swap3A_258 {strides = array<i32>} : memref<8x128xf32, #tpu.memory_space<vmem>>, vector<1x16xf32>,
    %swap3A_259 = arith.constant 5 : i32
    %swap3A_260 = arith.index_cast %swap3A_259 : i32 to index
    %swap3A_261 = arith.constant 48 : index
    %swap3A_262 = tpu.vector_load %arg9[%swap3A_260, %swap3A_261] {strides = array<i32>} : memref<8x128xf32, #tpu.memory_space<vmem>>, vector<1x16xf32>,
    %swap3A_263 = vector.shape_cast %swap3A_262 : vector<1x16xf32> to vector<16xf32>
    %swap3A_264 = vector.shape_cast %broadcast_in_dim3A_1 : vector<16xf32> to vector<1x16xf32>
    tpu.vector_store %arg9[%swap3A_260, %swap3A_261], %swap3A_264 {strides = array<i32>} : memref<8x128xf32, #tpu.memory_space<vmem>>, vector<1x16xf32>,
    %swap3A_265 = arith.constant 5 : i32
    %swap3A_266 = arith.index_cast %swap3A_265 : i32 to index
    %swap3A_267 = arith.constant 64 : index
    %swap3A_268 = tpu.vector_load %arg9[%swap3A_266, %swap3A_267] {strides = array<i32>} : memref<8x128xf32, #tpu.memory_space<vmem>>, vector<1x16xf32>,
    %swap3A_269 = vector.shape_cast %swap3A_268 : vector<1x16xf32> to vector<16xf32>
    %swap3A_270 = vector.shape_cast %broadcast_in_dim3A_1 : vector<16xf32> to vector<1x16xf32>
    tpu.vector_store %arg9[%swap3A_266, %swap3A_267], %swap3A_270 {strides = array<i32>} : memref<8x128xf32, #tpu.memory_space<vmem>>, vector<1x16xf32>,
    %swap3A_271 = arith.constant 5 : i32
    %swap3A_272 = arith.index_cast %swap3A_271 : i32 to index
    %swap3A_273 = arith.constant 80 : index
    %swap3A_274 = tpu.vector_load %arg9[%swap3A_272, %swap3A_273] {strides = array<i32>} : memref<8x128xf32, #tpu.memory_space<vmem>>, vector<1x16xf32>,
    %swap3A_275 = vector.shape_cast %swap3A_274 : vector<1x16xf32> to vector<16xf32>
    %swap3A_276 = vector.shape_cast %broadcast_in_dim3A_1 : vector<16xf32> to vector<1x16xf32>
    tpu.vector_store %arg9[%swap3A_272, %swap3A_273], %swap3A_276 {strides = array<i32>} : memref<8x128xf32, #tpu.memory_space<vmem>>, vector<1x16xf32>,
    %swap3A_277 = arith.constant 5 : i32
    %swap3A_278 = arith.index_cast %swap3A_277 : i32 to index
    %swap3A_279 = arith.constant 96 : index
    %swap3A_280 = tpu.vector_load %arg9[%swap3A_278, %swap3A_279] {strides = array<i32>} : memref<8x128xf32, #tpu.memory_space<vmem>>, vector<1x16xf32>,
    %swap3A_281 = vector.shape_cast %swap3A_280 : vector<1x16xf32> to vector<16xf32>
    %swap3A_282 = vector.shape_cast %broadcast_in_dim3A_1 : vector<16xf32> to vector<1x16xf32>
    tpu.vector_store %arg9[%swap3A_278, %swap3A_279], %swap3A_282 {strides = array<i32>} : memref<8x128xf32, #tpu.memory_space<vmem>>, vector<1x16xf32>,
    %swap3A_283 = arith.constant 5 : i32
    %swap3A_284 = arith.index_cast %swap3A_283 : i32 to index
    %swap3A_285 = arith.constant 112 : index
    %swap3A_286 = tpu.vector_load %arg9[%swap3A_284, %swap3A_285] {strides = array<i32>} : memref<8x128xf32, #tpu.memory_space<vmem>>, vector<1x16xf32>,
    %swap3A_287 = vector.shape_cast %swap3A_286 : vector<1x16xf32> to vector<16xf32>
    %swap3A_288 = vector.shape_cast %broadcast_in_dim3A_1 : vector<16xf32> to vector<1x16xf32>
    tpu.vector_store %arg9[%swap3A_284, %swap3A_285], %swap3A_288 {strides = array<i32>} : memref<8x128xf32, #tpu.memory_space<vmem>>, vector<1x16xf32>,
    %swap3A_289 = arith.constant 6 : i32
    %swap3A_290 = arith.index_cast %swap3A_289 : i32 to index
    %swap3A_291 = arith.constant 0 : index
    %swap3A_292 = tpu.vector_load %arg9[%swap3A_290, %swap3A_291] {strides = array<i32>} : memref<8x128xf32, #tpu.memory_space<vmem>>, vector<1x16xf32>,
    %swap3A_293 = vector.shape_cast %swap3A_292 : vector<1x16xf32> to vector<16xf32>
    %swap3A_294 = vector.shape_cast %broadcast_in_dim3A_1 : vector<16xf32> to vector<1x16xf32>
    tpu.vector_store %arg9[%swap3A_290, %swap3A_291], %swap3A_294 {strides = array<i32>} : memref<8x128xf32, #tpu.memory_space<vmem>>, vector<1x16xf32>,
    %swap3A_295 = arith.constant 6 : i32
    %swap3A_296 = arith.index_cast %swap3A_295 : i32 to index
    %swap3A_297 = arith.constant 16 : index
    %swap3A_298 = tpu.vector_load %arg9[%swap3A_296, %swap3A_297] {strides = array<i32>} : memref<8x128xf32, #tpu.memory_space<vmem>>, vector<1x16xf32>,
    %swap3A_299 = vector.shape_cast %swap3A_298 : vector<1x16xf32> to vector<16xf32>
    %swap3A_300 = vector.shape_cast %broadcast_in_dim3A_1 : vector<16xf32> to vector<1x16xf32>
    tpu.vector_store %arg9[%swap3A_296, %swap3A_297], %swap3A_300 {strides = array<i32>} : memref<8x128xf32, #tpu.memory_space<vmem>>, vector<1x16xf32>,
    %swap3A_301 = arith.constant 6 : i32
    %swap3A_302 = arith.index_cast %swap3A_301 : i32 to index
    %swap3A_303 = arith.constant 32 : index
    %swap3A_304 = tpu.vector_load %arg9[%swap3A_302, %swap3A_303] {strides = array<i32>} : memref<8x128xf32, #tpu.memory_space<vmem>>, vector<1x16xf32>,
    %swap3A_305 = vector.shape_cast %swap3A_304 : vector<1x16xf32> to vector<16xf32>
    %swap3A_306 = vector.shape_cast %broadcast_in_dim3A_1 : vector<16xf32> to vector<1x16xf32>
    tpu.vector_store %arg9[%swap3A_302, %swap3A_303], %swap3A_306 {strides = array<i32>} : memref<8x128xf32, #tpu.memory_space<vmem>>, vector<1x16xf32>,
    %swap3A_307 = arith.constant 6 : i32
    %swap3A_308 = arith.index_cast %swap3A_307 : i32 to index
    %swap3A_309 = arith.constant 48 : index
    %swap3A_310 = tpu.vector_load %arg9[%swap3A_308, %swap3A_309] {strides = array<i32>} : memref<8x128xf32, #tpu.memory_space<vmem>>, vector<1x16xf32>,
    %swap3A_311 = vector.shape_cast %swap3A_310 : vector<1x16xf32> to vector<16xf32>
    %swap3A_312 = vector.shape_cast %broadcast_in_dim3A_1 : vector<16xf32> to vector<1x16xf32>
    tpu.vector_store %arg9[%swap3A_308, %swap3A_309], %swap3A_312 {strides = array<i32>} : memref<8x128xf32, #tpu.memory_space<vmem>>, vector<1x16xf32>,
    %swap3A_313 = arith.constant 6 : i32
    %swap3A_314 = arith.index_cast %swap3A_313 : i32 to index
    %swap3A_315 = arith.constant 64 : index
    %swap3A_316 = tpu.vector_load %arg9[%swap3A_314, %swap3A_315] {strides = array<i32>} : memref<8x128xf32, #tpu.memory_space<vmem>>, vector<1x16xf32>,
    %swap3A_317 = vector.shape_cast %swap3A_316 : vector<1x16xf32> to vector<16xf32>
    %swap3A_318 = vector.shape_cast %broadcast_in_dim3A_1 : vector<16xf32> to vector<1x16xf32>
    tpu.vector_store %arg9[%swap3A_314, %swap3A_315], %swap3A_318 {strides = array<i32>} : memref<8x128xf32, #tpu.memory_space<vmem>>, vector<1x16xf32>,
    %swap3A_319 = arith.constant 6 : i32
    %swap3A_320 = arith.index_cast %swap3A_319 : i32 to index
    %swap3A_321 = arith.constant 80 : index
    %swap3A_322 = tpu.vector_load %arg9[%swap3A_320, %swap3A_321] {strides = array<i32>} : memref<8x128xf32, #tpu.memory_space<vmem>>, vector<1x16xf32>,
    %swap3A_323 = vector.shape_cast %swap3A_322 : vector<1x16xf32> to vector<16xf32>
    %swap3A_324 = vector.shape_cast %broadcast_in_dim3A_1 : vector<16xf32> to vector<1x16xf32>
    tpu.vector_store %arg9[%swap3A_320, %swap3A_321], %swap3A_324 {strides = array<i32>} : memref<8x128xf32, #tpu.memory_space<vmem>>, vector<1x16xf32>,
    %swap3A_325 = arith.constant 6 : i32
    %swap3A_326 = arith.index_cast %swap3A_325 : i32 to index
    %swap3A_327 = arith.constant 96 : index
    %swap3A_328 = tpu.vector_load %arg9[%swap3A_326, %swap3A_327] {strides = array<i32>} : memref<8x128xf32, #tpu.memory_space<vmem>>, vector<1x16xf32>,
    %swap3A_329 = vector.shape_cast %swap3A_328 : vector<1x16xf32> to vector<16xf32>
    %swap3A_330 = vector.shape_cast %broadcast_in_dim3A_1 : vector<16xf32> to vector<1x16xf32>
    tpu.vector_store %arg9[%swap3A_326, %swap3A_327], %swap3A_330 {strides = array<i32>} : memref<8x128xf32, #tpu.memory_space<vmem>>, vector<1x16xf32>,
    %swap3A_331 = arith.constant 6 : i32
    %swap3A_332 = arith.index_cast %swap3A_331 : i32 to index
    %swap3A_333 = arith.constant 112 : index
    %swap3A_334 = tpu.vector_load %arg9[%swap3A_332, %swap3A_333] {strides = array<i32>} : memref<8x128xf32, #tpu.memory_space<vmem>>, vector<1x16xf32>,
    %swap3A_335 = vector.shape_cast %swap3A_334 : vector<1x16xf32> to vector<16xf32>
    %swap3A_336 = vector.shape_cast %broadcast_in_dim3A_1 : vector<16xf32> to vector<1x16xf32>
    tpu.vector_store %arg9[%swap3A_332, %swap3A_333], %swap3A_336 {strides = array<i32>} : memref<8x128xf32, #tpu.memory_space<vmem>>, vector<1x16xf32>,
    %swap3A_337 = arith.constant 7 : i32
    %swap3A_338 = arith.index_cast %swap3A_337 : i32 to index
    %swap3A_339 = arith.constant 0 : index
    %swap3A_340 = tpu.vector_load %arg9[%swap3A_338, %swap3A_339] {strides = array<i32>} : memref<8x128xf32, #tpu.memory_space<vmem>>, vector<1x16xf32>,
    %swap3A_341 = vector.shape_cast %swap3A_340 : vector<1x16xf32> to vector<16xf32>
    %swap3A_342 = vector.shape_cast %broadcast_in_dim3A_1 : vector<16xf32> to vector<1x16xf32>
    tpu.vector_store %arg9[%swap3A_338, %swap3A_339], %swap3A_342 {strides = array<i32>} : memref<8x128xf32, #tpu.memory_space<vmem>>, vector<1x16xf32>,
    %swap3A_343 = arith.constant 7 : i32
    %swap3A_344 = arith.index_cast %swap3A_343 : i32 to index
    %swap3A_345 = arith.constant 16 : index
    %swap3A_346 = tpu.vector_load %arg9[%swap3A_344, %swap3A_345] {strides = array<i32>} : memref<8x128xf32, #tpu.memory_space<vmem>>, vector<1x16xf32>,
    %swap3A_347 = vector.shape_cast %swap3A_346 : vector<1x16xf32> to vector<16xf32>
    %swap3A_348 = vector.shape_cast %broadcast_in_dim3A_1 : vector<16xf32> to vector<1x16xf32>
    tpu.vector_store %arg9[%swap3A_344, %swap3A_345], %swap3A_348 {strides = array<i32>} : memref<8x128xf32, #tpu.memory_space<vmem>>, vector<1x16xf32>,
    %swap3A_349 = arith.constant 7 : i32
    %swap3A_350 = arith.index_cast %swap3A_349 : i32 to index
    %swap3A_351 = arith.constant 32 : index
    %swap3A_352 = tpu.vector_load %arg9[%swap3A_350, %swap3A_351] {strides = array<i32>} : memref<8x128xf32, #tpu.memory_space<vmem>>, vector<1x16xf32>,
    %swap3A_353 = vector.shape_cast %swap3A_352 : vector<1x16xf32> to vector<16xf32>
    %swap3A_354 = vector.shape_cast %broadcast_in_dim3A_1 : vector<16xf32> to vector<1x16xf32>
    tpu.vector_store %arg9[%swap3A_350, %swap3A_351], %swap3A_354 {strides = array<i32>} : memref<8x128xf32, #tpu.memory_space<vmem>>, vector<1x16xf32>,
    %swap3A_355 = arith.constant 7 : i32
    %swap3A_356 = arith.index_cast %swap3A_355 : i32 to index
    %swap3A_357 = arith.constant 48 : index
    %swap3A_358 = tpu.vector_load %arg9[%swap3A_356, %swap3A_357] {strides = array<i32>} : memref<8x128xf32, #tpu.memory_space<vmem>>, vector<1x16xf32>,
    %swap3A_359 = vector.shape_cast %swap3A_358 : vector<1x16xf32> to vector<16xf32>
    %swap3A_360 = vector.shape_cast %broadcast_in_dim3A_1 : vector<16xf32> to vector<1x16xf32>
    tpu.vector_store %arg9[%swap3A_356, %swap3A_357], %swap3A_360 {strides = array<i32>} : memref<8x128xf32, #tpu.memory_space<vmem>>, vector<1x16xf32>,
    %swap3A_361 = arith.constant 7 : i32
    %swap3A_362 = arith.index_cast %swap3A_361 : i32 to index
    %swap3A_363 = arith.constant 64 : index
    %swap3A_364 = tpu.vector_load %arg9[%swap3A_362, %swap3A_363] {strides = array<i32>} : memref<8x128xf32, #tpu.memory_space<vmem>>, vector<1x16xf32>,
    %swap3A_365 = vector.shape_cast %swap3A_364 : vector<1x16xf32> to vector<16xf32>
    %swap3A_366 = vector.shape_cast %broadcast_in_dim3A_1 : vector<16xf32> to vector<1x16xf32>
    tpu.vector_store %arg9[%swap3A_362, %swap3A_363], %swap3A_366 {strides = array<i32>} : memref<8x128xf32, #tpu.memory_space<vmem>>, vector<1x16xf32>,
    %swap3A_367 = arith.constant 7 : i32
    %swap3A_368 = arith.index_cast %swap3A_367 : i32 to index
    %swap3A_369 = arith.constant 80 : index
    %swap3A_370 = tpu.vector_load %arg9[%swap3A_368, %swap3A_369] {strides = array<i32>} : memref<8x128xf32, #tpu.memory_space<vmem>>, vector<1x16xf32>,
    %swap3A_371 = vector.shape_cast %swap3A_370 : vector<1x16xf32> to vector<16xf32>
    %swap3A_372 = vector.shape_cast %broadcast_in_dim3A_1 : vector<16xf32> to vector<1x16xf32>
    tpu.vector_store %arg9[%swap3A_368, %swap3A_369], %swap3A_372 {strides = array<i32>} : memref<8x128xf32, #tpu.memory_space<vmem>>, vector<1x16xf32>,
    %swap3A_373 = arith.constant 7 : i32
    %swap3A_374 = arith.index_cast %swap3A_373 : i32 to index
    %swap3A_375 = arith.constant 96 : index
    %swap3A_376 = tpu.vector_load %arg9[%swap3A_374, %swap3A_375] {strides = array<i32>} : memref<8x128xf32, #tpu.memory_space<vmem>>, vector<1x16xf32>,
    %swap3A_377 = vector.shape_cast %swap3A_376 : vector<1x16xf32> to vector<16xf32>
    %swap3A_378 = vector.shape_cast %broadcast_in_dim3A_1 : vector<16xf32> to vector<1x16xf32>
    tpu.vector_store %arg9[%swap3A_374, %swap3A_375], %swap3A_378 {strides = array<i32>} : memref<8x128xf32, #tpu.memory_space<vmem>>, vector<1x16xf32>,
    %swap3A_379 = arith.constant 7 : i32
    %swap3A_380 = arith.index_cast %swap3A_379 : i32 to index
    %swap3A_381 = arith.constant 112 : index
    %swap3A_382 = tpu.vector_load %arg9[%swap3A_380, %swap3A_381] {strides = array<i32>} : memref<8x128xf32, #tpu.memory_space<vmem>>, vector<1x16xf32>,
    %swap3A_383 = vector.shape_cast %swap3A_382 : vector<1x16xf32> to vector<16xf32>
    %swap3A_384 = vector.shape_cast %broadcast_in_dim3A_1 : vector<16xf32> to vector<1x16xf32>
    tpu.vector_store %arg9[%swap3A_380, %swap3A_381], %swap3A_384 {strides = array<i32>} : memref<8x128xf32, #tpu.memory_space<vmem>>, vector<1x16xf32>,
    %scan3A = arith.constant 0 : i32
    %scan3A_385 = arith.constant 0 : i32
    %scan3A_386 = arith.constant 80 : i32
    %scan3A_387 = arith.addi %scan3A_385, %scan3A_386 : i32
    %scan3A_388 = arith.constant 1 : i32
    %scan3A_389 = scf.for %scan3A_401 = %scan3A_385 to %scan3A_387 step %scan3A_388 iter_args(%scan3A_402 = %scan3A) -> (i32)  : i32 {
      %mul3A_403 = arith.constant 640 : i32
      %mul3A_404 = arith.muli %arg1, %mul3A_403 : i32
      %mul3A_405 = arith.constant 8 : i32
      %mul3A_406 = arith.muli %scan3A_401, %mul3A_405 : i32
      %add3A_407 = arith.addi %mul3A_404, %mul3A_406 : i32
      "tpu.region"() ({
        %run_scoped3A = tpu.sem_alloc : memref<!tpu.dma_semaphore, #tpu.memory_space<semaphore_mem>>
        %dma_start3A = arith.constant 0 : i32
        %dma_start3A_409 = tpu.memref_slice %arg10[%add3A_407, %dma_start3A] : memref<10240x128xf32, #tpu.memory_space<vmem_shared>> -> memref<8x128xf32, #tpu.memory_space<vmem_shared>>
        %dma_start3A_410 = arith.constant 0 : i32
        %dma_start3A_411 = tpu.memref_slice %arg10[%add3A_407, %dma_start3A_410] : memref<10240x128xf32, #tpu.memory_space<vmem_shared>> -> memref<8x128xf32, #tpu.memory_space<vmem_shared>>
        tpu.enqueue_dma source(%arg9 : memref<8x128xf32, #tpu.memory_space<vmem>>) target(%dma_start3A_411 : memref<8x128xf32, #tpu.memory_space<vmem_shared>>) target_semaphore(%run_scoped3A : memref<!tpu.dma_semaphore, #tpu.memory_space<semaphore_mem>>)
        %dma_wait3A = arith.constant 0 : i32
        %dma_wait3A_412 = tpu.memref_slice %arg10[%add3A_407, %dma_wait3A] : memref<10240x128xf32, #tpu.memory_space<vmem_shared>> -> memref<8x128xf32, #tpu.memory_space<vmem_shared>>
        %dma_wait3A_413 = arith.constant 0 : i32
        %dma_wait3A_414 = tpu.memref_slice %arg10[%add3A_407, %dma_wait3A_413] : memref<10240x128xf32, #tpu.memory_space<vmem_shared>> -> memref<8x128xf32, #tpu.memory_space<vmem_shared>>
        tpu.wait_dma2 semaphore(%run_scoped3A : memref<!tpu.dma_semaphore, #tpu.memory_space<semaphore_mem>>) src(%arg9 : memref<8x128xf32, #tpu.memory_space<vmem>>) dst(%dma_wait3A_414 : memref<8x128xf32, #tpu.memory_space<vmem_shared>>)
        tpu.yield
      }) : () -> ()
      %scan3A_408 = arith.constant 0 : i32
      scf.yield %scan3A_408 : i32
    }
    %scan3A_390 = arith.constant 80 : i32
    %barrier3A = arith.constant 0 : index
    tpu.barrier barrier_id(%barrier3A)
    %scan3A_391 = arith.constant 0 : i32
    %scan3A_392 = arith.constant 0 : i32
    %scan3A_393 = arith.constant 79 : i32
    %scan3A_394 = arith.addi %scan3A_392, %scan3A_393 : i32
    %scan3A_395 = arith.constant 1 : i32
    %scan3A_396 = scf.for %scan3A_401 = %scan3A_392 to %scan3A_394 step %scan3A_395 iter_args(%scan3A_402 = %scan3A_391) -> (i32)  : i32 {
      %mul3A_403 = arith.constant 10112 : i32
      %mul3A_404 = arith.muli %add3A, %mul3A_403 : i32
      %mul3A_405 = arith.constant 128 : i32
      %mul3A_406 = arith.muli %scan3A_401, %mul3A_405 : i32
      %add3A_407 = arith.addi %mul3A_404, %mul3A_406 : i32
      "tpu.region"() ({
        %run_scoped3A = tpu.sem_alloc : memref<!tpu.dma_semaphore, #tpu.memory_space<semaphore_mem>>
        %dma_start3A_413 = tpu.memref_slice %arg2[%add3A_407] : memref<323584xi32, #tpu.memory_space<hbm>> -> memref<128xi32, #tpu.memory_space<hbm>>
        %dma_start3A_414 = tpu.memref_slice %arg2[%add3A_407] : memref<323584xi32, #tpu.memory_space<hbm>> -> memref<128xi32, #tpu.memory_space<hbm>>
        tpu.enqueue_dma source(%dma_start3A_414 : memref<128xi32, #tpu.memory_space<hbm>>) target(%arg6 : memref<128xi32, #tpu.memory_space<vmem>>) target_semaphore(%run_scoped3A : memref<!tpu.dma_semaphore, #tpu.memory_space<semaphore_mem>>)
        %dma_wait3A_415 = tpu.memref_slice %arg2[%add3A_407] : memref<323584xi32, #tpu.memory_space<hbm>> -> memref<128xi32, #tpu.memory_space<hbm>>
        %dma_wait3A_416 = tpu.memref_slice %arg2[%add3A_407] : memref<323584xi32, #tpu.memory_space<hbm>> -> memref<128xi32, #tpu.memory_space<hbm>>
        tpu.wait_dma2 semaphore(%run_scoped3A : memref<!tpu.dma_semaphore, #tpu.memory_space<semaphore_mem>>) src(%dma_wait3A_416 : memref<128xi32, #tpu.memory_space<hbm>>) dst(%arg6 : memref<128xi32, #tpu.memory_space<vmem>>)
        tpu.yield
      }) : () -> ()
      "tpu.region"() ({
        %run_scoped3A = tpu.sem_alloc : memref<!tpu.dma_semaphore, #tpu.memory_space<semaphore_mem>>
        %dma_start3A_413 = tpu.memref_slice %arg3[%add3A_407] : memref<323584xi32, #tpu.memory_space<hbm>> -> memref<128xi32, #tpu.memory_space<hbm>>
        %dma_start3A_414 = tpu.memref_slice %arg3[%add3A_407] : memref<323584xi32, #tpu.memory_space<hbm>> -> memref<128xi32, #tpu.memory_space<hbm>>
        tpu.enqueue_dma source(%dma_start3A_414 : memref<128xi32, #tpu.memory_space<hbm>>) target(%arg7 : memref<128xi32, #tpu.memory_space<vmem>>) target_semaphore(%run_scoped3A : memref<!tpu.dma_semaphore, #tpu.memory_space<semaphore_mem>>)
        %dma_wait3A_415 = tpu.memref_slice %arg3[%add3A_407] : memref<323584xi32, #tpu.memory_space<hbm>> -> memref<128xi32, #tpu.memory_space<hbm>>
        %dma_wait3A_416 = tpu.memref_slice %arg3[%add3A_407] : memref<323584xi32, #tpu.memory_space<hbm>> -> memref<128xi32, #tpu.memory_space<hbm>>
        tpu.wait_dma2 semaphore(%run_scoped3A : memref<!tpu.dma_semaphore, #tpu.memory_space<semaphore_mem>>) src(%dma_wait3A_416 : memref<128xi32, #tpu.memory_space<hbm>>) dst(%arg7 : memref<128xi32, #tpu.memory_space<vmem>>)
        tpu.yield
      }) : () -> ()
      %dma_start3A = arith.constant 0 : i32
      %dma_start3A_408 = arith.constant 0 : i32
      %dma_start3A_409 = tpu.memref_slice %arg4[%dma_start3A, %dma_start3A_408] : memref<10240x128xf32, #tpu.memory_space<hbm>> -> memref<10240x128xf32, #tpu.memory_space<hbm>>
      tpu.enqueue_indirect_dma source(%dma_start3A_409 : memref<10240x128xf32, #tpu.memory_space<hbm>>) target(%arg8 : memref<128x128xf32, #tpu.memory_space<vmem>>) offsets(%arg6 : memref<128xi32, #tpu.memory_space<vmem>>) semaphore(%arg11 : memref<!tpu.dma_semaphore, #tpu.memory_space<semaphore_mem>>)
      %dma_wait3A = arith.constant 0 : i32
      %dma_wait3A_410 = arith.constant 0 : i32
      %dma_wait3A_411 = tpu.memref_slice %arg4[%dma_wait3A, %dma_wait3A_410] : memref<10240x128xf32, #tpu.memory_space<hbm>> -> memref<10240x128xf32, #tpu.memory_space<hbm>>
      tpu.wait_indirect_dma semaphore(%arg11 : memref<!tpu.dma_semaphore, #tpu.memory_space<semaphore_mem>>) src(%dma_wait3A_411 : memref<10240x128xf32, #tpu.memory_space<hbm>>) dst(%arg8 : memref<128x128xf32, #tpu.memory_space<vmem>>)
      "tpu.region"() ({
        %run_scoped3A = tpu.sem_alloc : memref<!tpu.dma_semaphore, #tpu.memory_space<semaphore_mem>>
        %dma_start3A_413 = arith.constant 0 : i32
        %dma_start3A_414 = arith.constant 0 : i32
        %dma_start3A_415 = tpu.memref_slice %arg10[%dma_start3A_413, %dma_start3A_414] : memref<10240x128xf32, #tpu.memory_space<vmem_shared>> -> memref<10240x128xf32, #tpu.memory_space<vmem_shared>>
        tpu.enqueue_indirect_dma source(%arg8 : memref<128x128xf32, #tpu.memory_space<vmem>>) target(%dma_start3A_415 : memref<10240x128xf32, #tpu.memory_space<vmem_shared>>) offsets(%arg7 : memref<128xi32, #tpu.memory_space<vmem>>) semaphore(%run_scoped3A : memref<!tpu.dma_semaphore, #tpu.memory_space<semaphore_mem>>) {add = true}
        %dma_wait3A_416 = arith.constant 0 : i32
        %dma_wait3A_417 = arith.constant 0 : i32
        %dma_wait3A_418 = tpu.memref_slice %arg10[%dma_wait3A_416, %dma_wait3A_417] : memref<10240x128xf32, #tpu.memory_space<vmem_shared>> -> memref<10240x128xf32, #tpu.memory_space<vmem_shared>>
        tpu.wait_indirect_dma semaphore(%run_scoped3A : memref<!tpu.dma_semaphore, #tpu.memory_space<semaphore_mem>>) src(%arg8 : memref<128x128xf32, #tpu.memory_space<vmem>>) dst(%dma_wait3A_418 : memref<10240x128xf32, #tpu.memory_space<vmem_shared>>)
        tpu.yield
      }) : () -> ()
      %scan3A_412 = arith.constant 0 : i32
      scf.yield %scan3A_412 : i32
    }
    %scan3A_397 = arith.constant 79 : i32
    %barrier3A_398 = arith.constant 0 : index
    tpu.barrier barrier_id(%barrier3A_398)
    %mul3A_399 = arith.constant 640 : i32
    %mul3A_400 = arith.muli %arg1, %mul3A_399 : i32
    "tpu.region"() ({
      %run_scoped3A = tpu.sem_alloc : memref<!tpu.dma_semaphore, #tpu.memory_space<semaphore_mem>>
      %dma_start3A = arith.constant 0 : i32
      %dma_start3A_401 = tpu.memref_slice %arg5[%arg0, %mul3A_400, %dma_start3A] : memref<2x10240x128xf32, #tpu.memory_space<hbm>> -> memref<1x640x128xf32, #tpu.memory_space<hbm>>
      %dma_start3A_402 = tpu.memref_squeeze %dma_start3A_401 : memref<1x640x128xf32, #tpu.memory_space<hbm>> -> memref<640x128xf32, #tpu.memory_space<hbm>>
      %dma_start3A_403 = arith.constant 0 : i32
      %dma_start3A_404 = tpu.memref_slice %arg10[%mul3A_400, %dma_start3A_403] : memref<10240x128xf32, #tpu.memory_space<vmem_shared>> -> memref<640x128xf32, #tpu.memory_space<vmem_shared>>
      tpu.enqueue_dma source(%dma_start3A_404 : memref<640x128xf32, #tpu.memory_space<vmem_shared>>) target(%dma_start3A_402 : memref<640x128xf32, #tpu.memory_space<hbm>>) target_semaphore(%run_scoped3A : memref<!tpu.dma_semaphore, #tpu.memory_space<semaphore_mem>>)
      %dma_wait3A = arith.constant 0 : i32
      %dma_wait3A_405 = tpu.memref_slice %arg5[%arg0, %mul3A_400, %dma_wait3A] : memref<2x10240x128xf32, #tpu.memory_space<hbm>> -> memref<1x640x128xf32, #tpu.memory_space<hbm>>
      %dma_wait3A_406 = tpu.memref_squeeze %dma_wait3A_405 : memref<1x640x128xf32, #tpu.memory_space<hbm>> -> memref<640x128xf32, #tpu.memory_space<hbm>>
      %dma_wait3A_407 = arith.constant 0 : i32
      %dma_wait3A_408 = tpu.memref_slice %arg10[%mul3A_400, %dma_wait3A_407] : memref<10240x128xf32, #tpu.memory_space<vmem_shared>> -> memref<640x128xf32, #tpu.memory_space<vmem_shared>>
      tpu.wait_dma2 semaphore(%run_scoped3A : memref<!tpu.dma_semaphore, #tpu.memory_space<semaphore_mem>>) src(%dma_wait3A_408 : memref<640x128xf32, #tpu.memory_space<vmem_shared>>) dst(%dma_wait3A_406 : memref<640x128xf32, #tpu.memory_space<hbm>>)
      tpu.yield
    }) : () -> ()
    return
  }
}

module attributes {stable_mosaic.version = 14 : i64} {
  func.func @_prep_body(%arg0: memref<2x10240xf32, #tpu.memory_space<vmem>>, %arg1: memref<10240x128xf32, #tpu.memory_space<vmem>>, %arg2: memref<128x128xf32, #tpu.memory_space<vmem>>, %arg3: memref<10240x128xf32, #tpu.memory_space<vmem>>, %arg4: memref<10240x1xf32, #tpu.memory_space<vmem>>) attributes {dimension_semantics = [], scalar_prefetch = 0 : i64, scratch_operands = 0 : i64, tpu.core_type = #tpu.core_type<tc>} {
    %get3A = arith.constant 0 : index
    %get3A_0 = arith.constant 0 : index
    %get3A_1 = vector.load %arg0[%get3A, %get3A_0] : memref<2x10240xf32, #tpu.memory_space<vmem>>, vector<2x10240xf32>
    %broadcast_in_dim3A = arith.constant 1.000000e+00 : f32
    %broadcast_in_dim3A_2 = vector.broadcast %broadcast_in_dim3A : f32 to vector<2x1xf32>
    %dot_general3A = arith.constant dense<0.000000e+00> : vector<10240x1xf32>
    %dot_general3A_3 = tpu.matmul %get3A_1, %broadcast_in_dim3A_2, %dot_general3A {dimension_numbers = #tpu.dot_dimension_numbers<[0], [0], [1], [1], [0, 1, 1, 1], [], []>, transpose_lhs_hint = false} : vector<2x10240xf32>, vector<2x1xf32>, vector<10240x1xf32> -> vector<10240x1xf32>
    %add3A = arith.constant 1.000000e+00 : f32
    %add3A_4 = vector.broadcast %add3A : f32 to vector<10240x1xf32>
    %add3A_5 = arith.addf %dot_general3A_3, %add3A_4 : vector<10240x1xf32>
    %rsqrt3A = math.rsqrt %add3A_5 : vector<10240x1xf32>
    %get3A_6 = arith.constant 0 : index
    %get3A_7 = arith.constant 0 : index
    %get3A_8 = vector.load %arg1[%get3A_6, %get3A_7] : memref<10240x128xf32, #tpu.memory_space<vmem>>, vector<10240x128xf32>
    %get3A_9 = arith.constant 0 : index
    %get3A_10 = arith.constant 0 : index
    %get3A_11 = vector.load %arg2[%get3A_9, %get3A_10] : memref<128x128xf32, #tpu.memory_space<vmem>>, vector<128x128xf32>
    %dot_general3A_12 = arith.constant dense<0.000000e+00> : vector<10240x128xf32>
    %dot_general3A_13 = tpu.matmul %get3A_8, %get3A_11, %dot_general3A_12 {dimension_numbers = #tpu.dot_dimension_numbers<[1], [0], [0], [1], [0, 0, 1, 1], [], []>, transpose_lhs_hint = false} : vector<10240x128xf32>, vector<128x128xf32>, vector<10240x128xf32> -> vector<10240x128xf32>
    %mul3A = vector.broadcast %rsqrt3A : vector<10240x1xf32> to vector<10240x128xf32>
    %mul3A_14 = arith.mulf %dot_general3A_13, %mul3A : vector<10240x128xf32>
    %swap3A = arith.constant 0 : index
    %swap3A_15 = arith.constant 0 : index
    %swap3A_16 = vector.load %arg3[%swap3A, %swap3A_15] : memref<10240x128xf32, #tpu.memory_space<vmem>>, vector<10240x128xf32>
    tpu.vector_store %arg3[%swap3A, %swap3A_15], %mul3A_14 {strides = array<i32>} : memref<10240x128xf32, #tpu.memory_space<vmem>>, vector<10240x128xf32>,
    %swap3A_17 = arith.constant 0 : index
    %swap3A_18 = arith.constant 0 : index
    %swap3A_19 = vector.load %arg4[%swap3A_17, %swap3A_18] : memref<10240x1xf32, #tpu.memory_space<vmem>>, vector<10240x1xf32>
    tpu.vector_store %arg4[%swap3A_17, %swap3A_18], %rsqrt3A {strides = array<i32>} : memref<10240x1xf32, #tpu.memory_space<vmem>>, vector<10240x1xf32>,
    return
  }
}

module attributes {stable_mosaic.version = 14 : i64} {
  func.func @_mid_body(%arg0: memref<2x10240x128xf32, #tpu.memory_space<vmem>>, %arg1: memref<10240x128xf32, #tpu.memory_space<vmem>>, %arg2: memref<10240x1xf32, #tpu.memory_space<vmem>>, %arg3: memref<128x128xf32, #tpu.memory_space<vmem>>, %arg4: memref<128xf32, #tpu.memory_space<vmem>>, %arg5: memref<10240x128xf32, #tpu.memory_space<vmem>>) attributes {dimension_semantics = [], scalar_prefetch = 0 : i64, scratch_operands = 0 : i64, tpu.core_type = #tpu.core_type<tc>} {
    %get3A = arith.constant 0 : index
    %get3A_0 = arith.constant 0 : index
    %get3A_1 = vector.load %arg2[%get3A, %get3A_0] : memref<10240x1xf32, #tpu.memory_space<vmem>>, vector<10240x1xf32>
    %get3A_2 = arith.constant 0 : index
    %get3A_3 = arith.constant 0 : index
    %get3A_4 = arith.constant 0 : index
    %get3A_5 = vector.load %arg0[%get3A_2, %get3A_3, %get3A_4] : memref<2x10240x128xf32, #tpu.memory_space<vmem>>, vector<1x10240x128xf32>
    %get3A_6 = vector.shape_cast %get3A_5 : vector<1x10240x128xf32> to vector<10240x128xf32>
    %get3A_7 = arith.constant 1 : index
    %get3A_8 = arith.constant 0 : index
    %get3A_9 = arith.constant 0 : index
    %get3A_10 = vector.load %arg0[%get3A_7, %get3A_8, %get3A_9] : memref<2x10240x128xf32, #tpu.memory_space<vmem>>, vector<1x10240x128xf32>
    %get3A_11 = vector.shape_cast %get3A_10 : vector<1x10240x128xf32> to vector<10240x128xf32>
    %add3A = arith.addf %get3A_6, %get3A_11 : vector<10240x128xf32>
    %get3A_12 = arith.constant 0 : index
    %get3A_13 = arith.constant 0 : index
    %get3A_14 = vector.load %arg1[%get3A_12, %get3A_13] : memref<10240x128xf32, #tpu.memory_space<vmem>>, vector<10240x128xf32>
    %add3A_15 = arith.addf %add3A, %get3A_14 : vector<10240x128xf32>
    %mul3A = vector.broadcast %get3A_1 : vector<10240x1xf32> to vector<10240x128xf32>
    %mul3A_16 = arith.mulf %add3A_15, %mul3A : vector<10240x128xf32>
    %get3A_17 = arith.constant 0 : index
    %get3A_18 = vector.load %arg4[%get3A_17] : memref<128xf32, #tpu.memory_space<vmem>>, vector<128xf32>
    %broadcast_in_dim3A = vector.shape_cast %get3A_18 : vector<128xf32> to vector<1x128xf32>
    %add3A_19 = vector.broadcast %broadcast_in_dim3A : vector<1x128xf32> to vector<10240x128xf32>
    %add3A_20 = arith.addf %mul3A_16, %add3A_19 : vector<10240x128xf32>
    %max3A = arith.constant 0.000000e+00 : f32
    %max3A_21 = vector.broadcast %max3A : f32 to vector<10240x128xf32>
    %max3A_22 = arith.maximumf %add3A_20, %max3A_21 : vector<10240x128xf32>
    %get3A_23 = arith.constant 0 : index
    %get3A_24 = arith.constant 0 : index
    %get3A_25 = vector.load %arg3[%get3A_23, %get3A_24] : memref<128x128xf32, #tpu.memory_space<vmem>>, vector<128x128xf32>
    %dot_general3A = arith.constant dense<0.000000e+00> : vector<10240x128xf32>
    %dot_general3A_26 = tpu.matmul %max3A_22, %get3A_25, %dot_general3A {dimension_numbers = #tpu.dot_dimension_numbers<[1], [0], [0], [1], [0, 0, 1, 1], [], []>, transpose_lhs_hint = false} : vector<10240x128xf32>, vector<128x128xf32>, vector<10240x128xf32> -> vector<10240x128xf32>
    %mul3A_27 = vector.broadcast %get3A_1 : vector<10240x1xf32> to vector<10240x128xf32>
    %mul3A_28 = arith.mulf %dot_general3A_26, %mul3A_27 : vector<10240x128xf32>
    %swap3A = arith.constant 0 : index
    %swap3A_29 = arith.constant 0 : index
    %swap3A_30 = vector.load %arg5[%swap3A, %swap3A_29] : memref<10240x128xf32, #tpu.memory_space<vmem>>, vector<10240x128xf32>
    tpu.vector_store %arg5[%swap3A, %swap3A_29], %mul3A_28 {strides = array<i32>} : memref<10240x128xf32, #tpu.memory_space<vmem>>, vector<10240x128xf32>,
    return
  }
}

module attributes {stable_mosaic.version = 14 : i64} {
  func.func @_fin_body(%arg0: memref<2x10240x128xf32, #tpu.memory_space<vmem>>, %arg1: memref<10240x128xf32, #tpu.memory_space<vmem>>, %arg2: memref<10240x1xf32, #tpu.memory_space<vmem>>, %arg3: memref<128xf32, #tpu.memory_space<vmem>>, %arg4: memref<10000x128xf32, #tpu.memory_space<vmem>>) attributes {dimension_semantics = [], scalar_prefetch = 0 : i64, scratch_operands = 0 : i64, tpu.core_type = #tpu.core_type<tc>} {
    %get3A = arith.constant 0 : index
    %get3A_0 = arith.constant 0 : index
    %get3A_1 = arith.constant 0 : index
    %get3A_2 = vector.load %arg0[%get3A, %get3A_0, %get3A_1] : memref<2x10240x128xf32, #tpu.memory_space<vmem>>, vector<1x10240x128xf32>
    %get3A_3 = vector.shape_cast %get3A_2 : vector<1x10240x128xf32> to vector<10240x128xf32>
    %get3A_4 = arith.constant 1 : index
    %get3A_5 = arith.constant 0 : index
    %get3A_6 = arith.constant 0 : index
    %get3A_7 = vector.load %arg0[%get3A_4, %get3A_5, %get3A_6] : memref<2x10240x128xf32, #tpu.memory_space<vmem>>, vector<1x10240x128xf32>
    %get3A_8 = vector.shape_cast %get3A_7 : vector<1x10240x128xf32> to vector<10240x128xf32>
    %add3A = arith.addf %get3A_3, %get3A_8 : vector<10240x128xf32>
    %get3A_9 = arith.constant 0 : index
    %get3A_10 = arith.constant 0 : index
    %get3A_11 = vector.load %arg1[%get3A_9, %get3A_10] : memref<10240x128xf32, #tpu.memory_space<vmem>>, vector<10240x128xf32>
    %add3A_12 = arith.addf %add3A, %get3A_11 : vector<10240x128xf32>
    %get3A_13 = arith.constant 0 : index
    %get3A_14 = arith.constant 0 : index
    %get3A_15 = vector.load %arg2[%get3A_13, %get3A_14] : memref<10240x1xf32, #tpu.memory_space<vmem>>, vector<10240x1xf32>
    %mul3A = vector.broadcast %get3A_15 : vector<10240x1xf32> to vector<10240x128xf32>
    %mul3A_16 = arith.mulf %add3A_12, %mul3A : vector<10240x128xf32>
    %get3A_17 = arith.constant 0 : index
    %get3A_18 = vector.load %arg3[%get3A_17] : memref<128xf32, #tpu.memory_space<vmem>>, vector<128xf32>
    %broadcast_in_dim3A = vector.shape_cast %get3A_18 : vector<128xf32> to vector<1x128xf32>
    %add3A_19 = vector.broadcast %broadcast_in_dim3A : vector<1x128xf32> to vector<10240x128xf32>
    %add3A_20 = arith.addf %mul3A_16, %add3A_19 : vector<10240x128xf32>
    %slice3A = vector.extract_strided_slice %add3A_20 {offsets = [0, 0], sizes = [10000, 128], strides = [1, 1]} : vector<10240x128xf32> to vector<10000x128xf32>
    %swap3A = arith.constant 0 : index
    %swap3A_21 = arith.constant 0 : index
    %swap3A_22 = vector.load %arg4[%swap3A, %swap3A_21] : memref<10000x128xf32, #tpu.memory_space<vmem>>, vector<10000x128xf32>
    tpu.vector_store %arg4[%swap3A, %swap3A_21], %slice3A {strides = array<i32>} : memref<10000x128xf32, #tpu.memory_space<vmem>>, vector<10000x128xf32>,
    return
  }
}

</mosaic_0001>

<sc_bundles>
// kernel: kernel.11.cloned.1.call-start
scs
__scs_entry_jumppad:
0x0: {  	(pc) =	sbr.rel $0x88, $3  }
0x1: {  	(tag) =	ssettag $0x0;
	lr =	simm.s32 $0x1  }
0x2: {  	[smem:$0x3F9B] =	sst lr;
	_ =	strace $0xD0000000  }
0x3: {  	_ = 	snop  }
0x4: {  	_ = 	snop  }
0x5: {  	_ = 	snop  }
0x6: {  	_ = 	snop  }
0x7: {  	_ = 	snop  }
__scs_overlays_trampoline_lowered:
0x8: {  	[smem:$0x3FAA] =	sst s0  }
0x9: {  	[smem:$0x3FAB] =	sst s1  }
0xa: {  	[smem:$0x3FAC] =	sst s2  }
0xb: {  	[smem:$0x3FAD] =	sst s3  }
0xc: {  	[smem:$0x3FAE] =	sst s4  }
0xd: {  	[smem:$0x3FAF] =	sst s5  }
0xe: {  	[smem:$0x3FB0] =	sst s6  }
0xf: {  	[smem:$0x3FB1] =	sst s7  }
0x10: {  	[smem:$0x3FB2] =	sst s8  }
0x11: {  	[smem:$0x3FB3] =	sst s9;
	s0 =	simm.s32 @!p0 $0x0  }
0x12: {  	s1 =	sld [smem:$0x3F99];
	s0 =	simm.s32 @p0 $0x1  }
0x13: {  	[smem:$0x3FB4] =	sst s0;
	s0 =	simm.s32 @!p1 $0x0  }
0x14: {  	s2 =	sld [smem:$0x3F98];
	s0 =	simm.s32 @p1 $0x1  }
0x15: {  	[smem:$0x3FB5] =	sst s0;
	s0 =	simm.s32 @!p2 $0x0  }
0x16: {  	s3 =	sld [smem:$0x3FDB];
	s0 =	simm.s32 @p2 $0x1  }
0x17: {  	s4 =	simm.s32 $0x1BF5;
	[smem:$0x3FB7] =	sst s0  }
0x18: {  	s0 =	sld [smem:$0x3F9A];
	_ =	swait.ge [sflag:s4], $0x0  }
0x19: {  	s7 =	sld [smem:$0x3F9B]  }
0x1a: {  	s8 =	sadd.s32 $0xFFFFE003, lr  }
0x1b: {  	s9 =	sadd.s32 $0xFFFFFEF7, lr;
	s5 =	simm.s32 $0xFFFFFFFF;
	p2 =	slt.u32 s8, $0xFFFFF086  }
0x1c: {  	p1 =	slt.u32 s9, $0xF7A;
	s5 =	simm.s32 @!p2 $0x0  }
0x1d: {  	s5 =	simm.s32 @p1 $0x1;
	p0 =	seq.s32 s7, s2  }
0x1e: {  	s7 =	smul.u32 @!p0 $0xF7A, s2;
	p2 =	seq.s32 @!p0 s5, $0x0  }
0x1f: {  	s9 =	smul.u32 $0xF7A, s1;
	s8 =	simm.s32 @!p0 $0x1BF5;
	p2 =	por !p2, p0  }
0x20: {  	[sflag:s8] =	ssyncset.s32 @!p0 $0xFFFFF086;
	s6 =	sadd.s32 @!p0 s3, s7;
	s7 =	simm.s32 @!p0 $0x108  }
0x21: {  	s3 =	sadd.s32 s3, s9;
	s6 =	sadd.s32 @!p0 $0x88, s6;
	s7 =	simm.s32 @p2 $0x1082  }
0x22: {  	[simem:s7], [sflag:s8] =	dma.local @!p0 [hbm:s6], $0xF7A  }
0x23: {  	s9 =	sor.u32 $0xD0000000, s2;
	s6 =	simm.s32 $0x108;
	_ =	swait.ge @!p0 [sflag:s8], $0x0  }
0x24: {  	s3 =	sadd.s32 $0x88, s3;
	s6 =	simm.s32 @!p1 $0x1082;
	[sflag:s4] =	ssyncset.s32 $0xFFFFF086  }
0x25: {  	[simem:s6], [sflag:s4] =	dma.local [hbm:s3], $0xF7A  }
0x26: {  	[smem:$0x3F9B] =	sst s1;
	(tag) =	ssettag s2;
	_ =	strace s9  }
0x27: {  	s1 =	sld [smem:$0x3FAB]  }
0x28: {  	s2 =	sld [smem:$0x3FAC]  }
0x29: {  	s4 =	sld [smem:$0x3FAE]  }
0x2a: {  	p0 =	seq.s32 s5, $0x0;
	s5 =	sld [smem:$0x3FAF]  }
0x2b: {  	s6 =	sld [smem:$0x3FB0]  }
0x2c: {  	s7 =	sld [smem:$0x3FB1]  }
0x2d: {  	s3 =	simm.s32 $0x108;
	s8 =	sld [smem:$0x3FB2]  }
0x2e: {  	s3 =	simm.s32 @!p0 $0x1082;
	s9 =	sld [smem:$0x3FB3]  }
0x2f: {  	lr =	sadd.s32 s0, s3;
	s0 =	sld [smem:$0x3FAA]  }
0x30: {  	s3 =	sld [smem:$0x3FAD]  }
0x31: {  	[smem:$0x3FB6] =	sst s10  }
0x32: {  	s10 =	sld [smem:$0x3FB4];
	_ =	sdelay $0x3  }
0x33: {  	p0 =	seq.s32 s10, $0x1;
	s10 =	sld [smem:$0x3FB6];
	_ =	sdelay $0x3  }
0x34: {  	[smem:$0x3FB6] =	sst s10  }
0x35: {  	s10 =	sld [smem:$0x3FB5];
	_ =	sdelay $0x3  }
0x36: {  	p1 =	seq.s32 s10, $0x1;
	s10 =	sld [smem:$0x3FB6];
	_ =	sdelay $0x3  }
0x37: {  	[smem:$0x3FB6] =	sst s10  }
0x38: {  	s10 =	sld [smem:$0x3FB7]  }
0x39: {  	_ = 	snop;
	(pc) =	sbr.ind lr, $3  }
0x3a: {  	_ = 	snop  }
0x3b: {  	_ = 	snop  }
0x3c: {  	p2 =	seq.s32 s10, $0x1;
	s10 =	sld [smem:$0x3FB6]  }
0x3d: {  	_ =	shalt  }
0x3e: {  	_ =	shalt  }
0x3f: {  	_ =	shalt  }
0x40: {  	_ =	shalt  }
0x41: {  	_ =	shalt  }
0x42: {  	_ =	shalt  }
0x43: {  	_ =	shalt  }
0x44: {  	_ =	shalt  }
0x45: {  	_ =	shalt  }
0x46: {  	_ =	shalt  }
0x47: {  	_ =	shalt  }
0x48: {  	_ =	shalt  }
0x49: {  	_ =	shalt  }
0x4a: {  	_ =	shalt  }
0x4b: {  	_ =	shalt  }
0x4c: {  	_ =	shalt  }
0x4d: {  	_ =	shalt  }
0x4e: {  	_ =	shalt  }
0x4f: {  	_ =	shalt  }
0x50: {  	_ =	shalt  }
0x51: {  	_ =	shalt  }
0x52: {  	_ =	shalt  }
0x53: {  	_ =	shalt  }
0x54: {  	_ =	shalt  }
0x55: {  	_ =	shalt  }
0x56: {  	_ =	shalt  }
0x57: {  	_ =	shalt  }
0x58: {  	_ =	shalt  }
0x59: {  	_ =	shalt  }
0x5a: {  	_ =	shalt  }
0x5b: {  	_ =	shalt  }
0x5c: {  	_ =	shalt  }
0x5d: {  	_ =	shalt  }
0x5e: {  	_ =	shalt  }
0x5f: {  	_ =	shalt  }
0x60: {  	_ =	shalt  }
0x61: {  	_ =	shalt  }
0x62: {  	_ =	shalt  }
0x63: {  	_ =	shalt  }
0x64: {  	_ =	shalt  }
0x65: {  	_ =	shalt  }
0x66: {  	_ =	shalt  }
0x67: {  	_ =	shalt  }
0x68: {  	_ =	shalt  }
0x69: {  	_ =	shalt  }
0x6a: {  	_ =	shalt  }
0x6b: {  	_ =	shalt  }
0x6c: {  	_ =	shalt  }
0x6d: {  	_ =	shalt  }
0x6e: {  	_ =	shalt  }
0x6f: {  	_ =	shalt  }
0x70: {  	_ =	shalt  }
0x71: {  	_ =	shalt  }
0x72: {  	_ =	shalt  }
0x73: {  	_ =	shalt  }
0x74: {  	_ =	shalt  }
0x75: {  	_ =	shalt  }
0x76: {  	_ =	shalt  }
0x77: {  	_ =	shalt  }
0x78: {  	_ =	shalt  }
0x79: {  	_ =	shalt  }
0x7a: {  	_ =	shalt  }
0x7b: {  	_ =	shalt  }
0x7c: {  	_ =	shalt  }
0x7d: {  	_ =	shalt  }
0x7e: {  	_ =	shalt  }
0x7f: {  	_ =	shalt  }
0x80: {  	_ =	shalt  }
0x81: {  	_ =	shalt  }
0x82: {  	_ =	shalt  }
0x83: {  	_ =	shalt  }
0x84: {  	_ =	shalt  }
0x85: {  	_ =	shalt  }
0x86: {  	_ =	shalt  }
0x87: {  	_ =	shalt  }
.Lfunc_end0:
.L_simem_size_0:
called_computation.1_lowered:
.L_overlay_start_0:
0x88: {  	s2 =	sld [smem:$0x3FD9]  }
0x89: {  	s3 =	sld [smem:$0x3FFE];
	_ =	sdelay $0x1  }
0x8a: {  	s1 =	srdreg.scid  }
0x8b: {  	s0 =	sand.u32 $0x1, s1  }
0x8c: {  	s17 =	sshll.u32 s0, $0xA;
	s2 =	sadd.s32 s3, s2  }
0x8d: {  	s2 =	sadd.s32 s2, s17  }
0x8e: {  	[smem:$0x3FC2] =	sst s2  }
0x8f: {  	_ = 	snop  }
0x90: {  	s2 =	sld [smem:$0x3FD0];
	(tm) =	ssettm $0x1  }
0x91: {  	s18 =	sld [smem:$0x3FFB];
	_ =	sdelay $0x3  }
0x92: {  	_ =	strace s18  }
0x93: {  	s3 =	sld [smem:$0x3FFC];
	_ =	sdelay $0x3  }
0x94: {  	_ =	strace s3  }
0x95: {  	s3 =	sld [smem:$0x3FFD];
	_ =	sdelay $0x3  }
0x96: {  	_ =	strace s3  }
0x97: {  	_ =	strace $0x8FFFFFFF  }
0x98: {  	s19 =	sld [smem:$0x3FDB];
	_ =	sdelay $0x1  }
0x99: {  	s4 =	simm.s32 $_scs_section_size  }
0x9a: {  	s5 =	simm.s32 $_size__tile_overlayer_lowered;
	s6 =	simm.s32 $_tile_overlayer_lowered  }
0x9b: {  	s22 =	simm.s32 $0x1BFF;
	s21 =	sshll.u32 s6, $0x1;
	s3 =	sadd.s32 s4, s19  }
0x9c: {  	s7 =	simm.s32 $0x0;
	s20 =	sshll.u32 s5, $0x1;
	s5 =	sadd.s32 s21, s3  }
0x9d: {  	[timem:s7], [sflag:s22] =	dma.local [hbm:s5], s20  }
0x9e: {  	_ =	swait.ge [sflag:s22], s20  }
0x9f: {  	s4 =	ssub.s32 $0x0, s20;
	[sflag:s22] =	ssyncset.done $0x0  }
0xa0: {  	[sflag:s22] =	ssyncadd.s32 s4;
	_ =	sdelay $0x1  }
0xa1: {  	s23 =	simm.s32 $0x1B8B  }
0xa2: {  	_ =	swait.ge [sflag:s23], $0x1  }
0xa3: {  	[sflag:s23] =	ssyncset.done $0x0  }
0xa4: {  	s25 =	simm.s32 $0x1B8E;
	s24 =	sld [smem:$0x3FFE];
	[sflag:s23] =	ssyncadd.s32 $0xFFFFFFFF  }
0xa5: {  	s26 =	simm.s32 $execute0_lowered;
	[smem:$0x3FD2] =	sst s25  }
0xa6: {  	s5 =	sshll.u32 s26, $0x1;
	_ =	strace $0x80000049;
	[dreg:$0x1] =	wrdreg $0xFFFFFFFF  }
0xa7: {  	s28 =	simm.s32 $_size_execute0_lowered;
	s3 =	sadd.s32 s3, s5;
	[dreg:$0x0] =	wrdreg $0x0  }
0xa8: {  	s5 =	sshll.u32 s28, $0x1;
	[dreg:$0x2] =	wrdreg s3  }
0xa9: {  	[dreg:$0x3] =	wrdreg s5  }
0xaa: {  	[dreg:$0x4] =	wrdreg $0xC0  }
0xab: {  	_ =	task [dreg:s7], $0x5FFFF  }
0xac: {  	[dreg:$0x1] =	wrdreg $0xFFFFFFFF  }
0xad: {  	[dreg:$0x0] =	wrdreg $0x60  }
0xae: {  	[dreg:$0x2] =	wrdreg s2  }
0xaf: {  	[dreg:$0x3] =	wrdreg s24  }
0xb0: {  	[dreg:$0x4] =	wrdreg $0x45000  }
0xb1: {  	[dreg:$0x5] =	wrdreg $0x9  }
0xb2: {  	_ =	task.clear_ibuf [dreg:s7], $0x6FFFF;
	_ =	strace $0x90000049  }
0xb3: {  	s29 =	simm.s32 $0x9;
	_ =	strace $0x8000004B  }
0xb4: {  	_ =	swait.ge [sflag:s29], $0x1  }
0xb5: {  	[sflag:s29] =	ssyncadd.s32 $0xFFFFFFFF  }
0xb6: {  	_ =	strace $0x9000004B  }
0xb7: {  	_ =	sfence  }
0xb8: {  	s30 =	sld [smem:$0x0];
	_ =	sdelay $0x2  }
0xb9: {  	s31 =	sshll.u32 s1, $0xD;
	s1 =	sshrl.u32 s1, $0x2  }
0xba: {  	s3 =	sand.u32 $0x4000, s31;
	s1 =	sadd.s32 s1, s30  }
0xbb: {  	s0 =	sor.u32 s3, s0;
	s1 =	sshll.u32 s1, $0x11  }
0xbc: {  	s0 =	sor.u32 s1, s0  }
0xbd: {  	s0 =	sadd.s32 $0x8F2B, s0  }
0xbe: {  	[sflag:s0] =	ssyncadd.remote.s32 $0x1  }
0xbf: {  	_ =	sfence.sel $0xFFFF  }
0xc0: {  	[dreg:$0x0] =	wrdreg $0xFFFFFFFF;
	(pc) =	sbr.abs _section_cstart, $3  }
0xc1: {  	[dreg:$0x1] =	wrdreg $0xFFFFFFFF  }
0xc2: {  	_ =	task.clear_ibuf [dreg:s7], $0x2FFFF;
	_ =	strace $0x9FFFFFFF  }
0xc3: {  	(tm) =	ssettm $0x7FFFFFFF  }
tec
execute0_lowered:
.L_overlay_start_1:
0x0: {  	(tag) =	ssettag $0x1  }
0x1: {  	s7 =	rddreg [dreg:$0x0]  }
0x2: {  	s5 =	rddreg [dreg:$0x1]  }
0x3: {  	s0 =	stileid.u32;
	s1 =	srdreg.scid  }
0x4: {  	s2 =	rddreg [dreg:$0x2];
	s3 =	simm.s32 $0x0;
	s8 =	smul.u32 $0x9E0, s0  }
0x5: {  	s6 =	sand.u32 $0x1, s1;
	s1 =	rddreg [dreg:$0x3];
	s9 =	smul.u32 $0x14000, s0  }
0x6: {  	s17 =	simm.s32 $0x0;
	[smem:$0x7FF] =	sst s3;
	s11 =	smul.u32 $0x50000, s0  }
0x7: {  	s15 =	sshll.u32 s0, $0x6;
	s4 =	smul.u32 $0x140000, s6;
	_ =	strace $0x8000004A  }
0x8: {  	s12 =	ssub.s32 $0x2, s6;
	s14 =	smul.u32 $0x4F0, s6;
	s15 =	sor.u32 $0x1C02, s15  }
0x9: {  	s10 =	sadd.s32 s8, s5;
	s13 =	sshrl.u32 s12, $0x1;
	s11 =	sshrl.u32 s11, $0x2  }
0xa: {  	s31 =	sadd.s32 s8, s7;
	s9 =	sadd.s32 s9, s4;
	s4 =	sadd.s32 $0xC600, s5  }
0xb: {  	s30 =	ssub.s32 s12, s13;
	s10 =	sadd.s32 s14, s10;
	s12 =	simm.s32 $0x80  }
0xc: {  	s13 =	simm.s32 $0x100;
	s9 =	sshrl.u32 s9, $0x3;
	s7 =	smax.u32 s30, $0x1  }
0xd: {  	s8 =	sadd.s32 $0x2800, s10;
	s10 =	simm.s32 $0x4100;
	s29 =	sadd.s32 s9, s5  }
0xe: {  	s5 =	sadd.s32 s11, s2;
	s9 =	sadd.s32 s14, s31;
	s11 =	simm.s32 $0x2  }
0xf: {  	v0 =	vimm.f32 $0.0e+00;
	s14 =	simm.s32 $0x1;
	s6 =	sadd.s32 $0x34600, s29;
	s16 =	sshrl.u32 s5, $0x3  }
.LBB2_1:
0x10: {  	[tilespmem:$0x4100] =	vst v0  }
0x11: {  	[tilespmem:$0x4110] =	vst v0  }
0x12: {  	[tilespmem:$0x4120] =	vst v0  }
0x13: {  	[tilespmem:$0x4130] =	vst v0  }
0x14: {  	[tilespmem:$0x4140] =	vst v0  }
0x15: {  	[tilespmem:$0x4150] =	vst v0  }
0x16: {  	[tilespmem:$0x4160] =	vst v0  }
0x17: {  	[tilespmem:$0x4170] =	vst v0  }
0x18: {  	[tilespmem:$0x4180] =	vst v0  }
0x19: {  	[tilespmem:$0x4190] =	vst v0  }
0x1a: {  	[tilespmem:$0x41A0] =	vst v0  }
0x1b: {  	[tilespmem:$0x41B0] =	vst v0  }
0x1c: {  	[tilespmem:$0x41C0] =	vst v0  }
0x1d: {  	[tilespmem:$0x41D0] =	vst v0  }
0x1e: {  	[tilespmem:$0x41E0] =	vst v0  }
0x1f: {  	[tilespmem:$0x41F0] =	vst v0  }
0x20: {  	[tilespmem:$0x4200] =	vst v0  }
0x21: {  	[tilespmem:$0x4210] =	vst v0  }
0x22: {  	[tilespmem:$0x4220] =	vst v0  }
0x23: {  	[tilespmem:$0x4230] =	vst v0  }
0x24: {  	[tilespmem:$0x4240] =	vst v0  }
0x25: {  	[tilespmem:$0x4250] =	vst v0  }
0x26: {  	[tilespmem:$0x4260] =	vst v0  }
0x27: {  	[tilespmem:$0x4270] =	vst v0  }
0x28: {  	[tilespmem:$0x4280] =	vst v0  }
0x29: {  	[tilespmem:$0x4290] =	vst v0  }
0x2a: {  	[tilespmem:$0x42A0] =	vst v0  }
0x2b: {  	[tilespmem:$0x42B0] =	vst v0  }
0x2c: {  	[tilespmem:$0x42C0] =	vst v0  }
0x2d: {  	[tilespmem:$0x42D0] =	vst v0  }
0x2e: {  	[tilespmem:$0x42E0] =	vst v0  }
0x2f: {  	[tilespmem:$0x42F0] =	vst v0  }
0x30: {  	[tilespmem:$0x4300] =	vst v0  }
0x31: {  	[tilespmem:$0x4310] =	vst v0  }
0x32: {  	[tilespmem:$0x4320] =	vst v0  }
0x33: {  	[tilespmem:$0x4330] =	vst v0  }
0x34: {  	[tilespmem:$0x4340] =	vst v0  }
0x35: {  	[tilespmem:$0x4350] =	vst v0  }
0x36: {  	[tilespmem:$0x4360] =	vst v0  }
0x37: {  	[tilespmem:$0x4370] =	vst v0  }
0x38: {  	[tilespmem:$0x4380] =	vst v0  }
0x39: {  	[tilespmem:$0x4390] =	vst v0  }
0x3a: {  	[tilespmem:$0x43A0] =	vst v0  }
0x3b: {  	[tilespmem:$0x43B0] =	vst v0  }
0x3c: {  	[tilespmem:$0x43C0] =	vst v0  }
0x3d: {  	[tilespmem:$0x43D0] =	vst v0  }
0x3e: {  	[tilespmem:$0x43E0] =	vst v0  }
0x3f: {  	[tilespmem:$0x43F0] =	vst v0  }
0x40: {  	[tilespmem:$0x4400] =	vst v0  }
0x41: {  	[tilespmem:$0x4410] =	vst v0  }
0x42: {  	[tilespmem:$0x4420] =	vst v0  }
0x43: {  	[tilespmem:$0x4430] =	vst v0  }
0x44: {  	[tilespmem:$0x4440] =	vst v0  }
0x45: {  	[tilespmem:$0x4450] =	vst v0  }
0x46: {  	[tilespmem:$0x4460] =	vst v0  }
0x47: {  	[tilespmem:$0x4470] =	vst v0  }
0x48: {  	[tilespmem:$0x4480] =	vst v0  }
0x49: {  	[tilespmem:$0x4490] =	vst v0  }
0x4a: {  	[tilespmem:$0x44A0] =	vst v0  }
0x4b: {  	[tilespmem:$0x44B0] =	vst v0  }
0x4c: {  	[tilespmem:$0x44C0] =	vst v0  }
0x4d: {  	[tilespmem:$0x44D0] =	vst v0  }
0x4e: {  	[tilespmem:$0x44E0] =	vst v0  }
0x4f: {  	[tilespmem:$0x44F0] =	vst v0;
	s18 =	sadd.s32 $0x0, s5  }
0x50: {  	[spmem:s18] =	stream.linear.scatter [tilespmem:s10], [sflag:$0x2], $0x400, $0x38;
	[tilespmem:$0x18500] =	vst v63  }
0x51: {  	s18 =	simm.s32 $0x1000;
	_ =	swait.ge [sflag:s11], $0x400  }
.LBB2_2:
0x52: {  	s19 =	sshra.s32 s18, $0x2;
	[sflag:s11] =	ssyncset.done $0x0;
	p0 =	sne.s32 s18, $0x4F000  }
.Ltmp0:
0x53: {  	s19 =	sadd.s32 s19, s5;
	[sflag:s11] =	ssyncadd.s32 $0xFFFFFC00;
	(pc) =	sbr.rel @p0 .LBB2_2-.Ltmp0, $3  }
0x54: {  	[spmem:s19] =	stream.linear.scatter [tilespmem:s10], [sflag:$0x2], $0x400, $0x38;
	[tilespmem:$0x18500] =	vst v63  }
0x55: {  	s18 =	sadd.s32 $0x1000, s18;
	_ =	sdelay $0x1  }
0x56: {  	_ =	swait.ge [sflag:s11], $0x400  }
0x57: {  	[sflag:s11] =	ssyncset.done $0x0  }
0x58: {  	[sflag:s11] =	ssyncadd.s32 $0xFFFFFC00  }
0x59: {  	s18 =	sadd.s32 $0x0, s9;
	[bflag:$0x0] =	sbarrier.arrive $0xFFFF  }
0x5a: {  	[tilespmem:s3], [sflag:$0x2] =	stream.linear.gather [hbm4b:s18+s3], $0x80, $0x38;
	[tilespmem:$0x18500] =	vst v63  }
0x5b: {  	_ =	swait.ge [sflag:s11], $0x80  }
0x5c: {  	[sflag:s11] =	ssyncset.done $0x0  }
0x5d: {  	s31 =	sadd.s32 $0x0, s8;
	[sflag:s11] =	ssyncadd.s32 $0xFFFFFF80  }
0x5e: {  	[tilespmem:s12], [sflag:$0x2] =	stream.linear.gather [hbm4b:s31+s3], $0x80, $0x38;
	[tilespmem:$0x18500] =	vst v63  }
0x5f: {  	_ =	swait.ge [sflag:s11], $0x80  }
0x60: {  	[sflag:s11] =	ssyncset.done $0x0  }
0x61: {  	[sflag:s11] =	ssyncadd.s32 $0xFFFFFF80  }
0x62: {  	[tilespmem:s13], [sflag:$0x1] =	stream.indirect.gather [hbm4b:s4+s12], $0x80, s3, s12, $0xb8;
	[tilespmem:$0x18500] =	vst v63  }
0x63: {  	_ =	swait.ge [sflag:s14], $0x4000  }
0x64: {  	[sflag:s14] =	ssyncset.done $0x0  }
0x65: {  	[sflag:s14] =	ssyncadd.s32 $0xFFFFC000  }
0x66: {  	[spmem:s2] =	stream.indirect.scatter.add.f32 [tilespmem:s13], [sflag:$0x2], $0x80, s12, s12, $0xb8;
	[tilespmem:$0x18500] =	vst v63  }
0x67: {  	_ =	swait.ge [sflag:s11], $0x4000  }
0x68: {  	s19 =	simm.s32 $0x20;
	s18 =	simm.s32 $0x10;
	[sflag:s11] =	ssyncset.done $0x0  }
.LBB2_4:
0x69: {  	s20 =	sadd.s32 s18, s9  }
0x6a: {  	[sflag:s11] =	ssyncadd.s32 $0xFFFFC000;
	s21 =	smov.u32 s19;
	s22 =	sadd.s32 $0x10, s19  }
0x6b: {  	[tilespmem:s3], [sflag:$0x2] =	stream.linear.gather [hbm4b:s20+s3], $0x80, $0x38;
	[tilespmem:$0x18500] =	vst v63  }
0x6c: {  	p0 =	sne.s32 s19, $0x4E0;
	_ =	swait.ge [sflag:s11], $0x80  }
0x6d: {  	[sflag:s11] =	ssyncset.done $0x0  }
0x6e: {  	s19 =	sadd.s32 s18, s8;
	s18 =	smov.u32 s21;
	[sflag:s11] =	ssyncadd.s32 $0xFFFFFF80  }
0x6f: {  	[tilespmem:s12], [sflag:$0x2] =	stream.linear.gather [hbm4b:s19+s3], $0x80, $0x38;
	[tilespmem:$0x18500] =	vst v63  }
0x70: {  	_ =	swait.ge [sflag:s11], $0x80  }
0x71: {  	[sflag:s11] =	ssyncset.done $0x0  }
0x72: {  	[sflag:s11] =	ssyncadd.s32 $0xFFFFFF80  }
0x73: {  	[tilespmem:s13], [sflag:$0x1] =	stream.indirect.gather [hbm4b:s4+s12], $0x80, s3, s12, $0xb8;
	[tilespmem:$0x18500] =	vst v63  }
0x74: {  	_ =	swait.ge [sflag:s14], $0x4000  }
.Ltmp1:
0x75: {  	[sflag:s14] =	ssyncset.done $0x0;
	(pc) =	sbr.rel @p0 .LBB2_4-.Ltmp1, $4  }
0x76: {  	[sflag:s14] =	ssyncadd.s32 $0xFFFFC000  }
0x77: {  	[spmem:s2] =	stream.indirect.scatter.add.f32 [tilespmem:s13], [sflag:$0x2], $0x80, s12, s12, $0xb8;
	[tilespmem:$0x18500] =	vst v63  }
0x78: {  	_ =	swait.ge [sflag:s11], $0x4000  }
0x79: {  	s19 =	smov.u32 s22;
	[sflag:s11] =	ssyncset.done $0x0  }
0x7a: {  	s19 =	sadd.s32 s18, s9;
	[sflag:s11] =	ssyncadd.s32 $0xFFFFC000  }
0x7b: {  	[tilespmem:s3], [sflag:$0x2] =	stream.linear.gather [hbm4b:s19+s3], $0x80, $0x38;
	[tilespmem:$0x18500] =	vst v63  }
0x7c: {  	_ =	swait.ge [sflag:s11], $0x80  }
0x7d: {  	[sflag:s11] =	ssyncset.done $0x0  }
0x7e: {  	s31 =	sadd.s32 s18, s8;
	[sflag:s11] =	ssyncadd.s32 $0xFFFFFF80  }
0x7f: {  	[tilespmem:s12], [sflag:$0x2] =	stream.linear.gather [hbm4b:s31+s3], $0x80, $0x38;
	[tilespmem:$0x18500] =	vst v63  }
0x80: {  	_ =	swait.ge [sflag:s11], $0x80  }
0x81: {  	[sflag:s11] =	ssyncset.done $0x0  }
0x82: {  	[sflag:s11] =	ssyncadd.s32 $0xFFFFFF80  }
0x83: {  	[tilespmem:s13], [sflag:$0x1] =	stream.indirect.gather [hbm4b:s4+s12], $0x80, s3, s12, $0xb8;
	[tilespmem:$0x18500] =	vst v63  }
0x84: {  	_ =	swait.ge [sflag:s14], $0x4000  }
0x85: {  	[sflag:s14] =	ssyncset.done $0x0  }
0x86: {  	[sflag:s14] =	ssyncadd.s32 $0xFFFFC000  }
0x87: {  	[spmem:s2] =	stream.indirect.scatter.add.f32 [tilespmem:s13], [sflag:$0x2], $0x80, s12, s12, $0xb8;
	[tilespmem:$0x18500] =	vst v63  }
0x88: {  	_ =	swait.ge [sflag:s11], $0x4000  }
0x89: {  	s17 =	sadd.s32 $0x1, s17;
	[sflag:s11] =	ssyncset.done $0x0  }
0x8a: {  	p0 =	sne.s32 s17, s7;
	[sflag:s11] =	ssyncadd.s32 $0xFFFFC000  }
.Ltmp2:
0x8b: {  	[bflag:$0x0] =	sbarrier.arrive $0xFFFF;
	(pc) =	sbr.rel @p0 .LBB2_1-.Ltmp2, $4  }
0x8c: {  	[hbm:s6], [sflag:s15] =	dma.local [spmem:s16], $0x2800  }
0x8d: {  	_ =	swait.ge [sflag:s11], $0x2800  }
0x8e: {  	[sflag:s11] =	ssyncset.done $0x0  }
0x8f: {  	[sflag:s11] =	ssyncadd.s32 $0xFFFFD800  }
0x90: {  	_ =	sfence.sel $0x180000  }
0x91: {  	[bflag:$0x0] =	sbarrier.arrive $0xFFFF  }
0x92: {  	p0 =	sne.s32 s0, $0x0;
	_ =	strace $0x9000004A  }
0x93: {  	s0 =	sadd.s32 @!p0 $0x100000, s1;
	[bflag:$0x2] =	sbarrier.arrive $0xFFFF  }
0x94: {  	[sflag:s0] =	ssyncadd.tile.s32 @!p0 $0x1;
	_ =	shalt  }
.Lfunc_end2:
_tile_overlayer_lowered:
.L_overlay_start_2:
0x95: {  	(tag) =	ssettag $0x2  }
0x96: {  	s0 =	rddreg [dreg:$0x0];
	s2 =	stileid.u32  }
0x97: {  	s1 =	rddreg [dreg:$0x1];
	p0 =	sne.s32 s2, $0x0  }
0x98: {  	s3 =	rddreg [dreg:$0x2];
	[bflag:$0x3] =	sbarrier.arrive $0xFFFF;
	s2 =	simm.s32 @!p0 $0x1C02  }
0x99: {  	[timem:s3], [sflag:s2] =	dma.local @!p0 [hbm:s0], s1  }
0x9a: {  	s0 =	simm.s32 @!p0 $0x2  }
0x9b: {  	_ =	swait.ge @!p0 [sflag:s0], s1  }
0x9c: {  	s1 =	ssub.s32 @!p0 $0x0, s1;
	[sflag:s0] =	ssyncset.done @!p0 $0x0  }
0x9d: {  	[sflag:s0] =	ssyncadd.s32 @!p0 s1  }
0x9e: {  	[bflag:$0x3] =	sbarrier.arrive $0xFFFF  }
0x9f: {  	_ =	shalt  }

// kernel: kernel.14.cloned.1.call-start
scs
__scs_entry_jumppad:
0x0: {  	(pc) =	sbr.rel $0x88, $3  }
0x1: {  	(tag) =	ssettag $0x0;
	lr =	simm.s32 $0x1  }
0x2: {  	[smem:$0x3F9B] =	sst lr;
	_ =	strace $0xD0000000  }
0x3: {  	_ = 	snop  }
0x4: {  	_ = 	snop  }
0x5: {  	_ = 	snop  }
0x6: {  	_ = 	snop  }
0x7: {  	_ = 	snop  }
__scs_overlays_trampoline_lowered:
0x8: {  	[smem:$0x3FAA] =	sst s0  }
0x9: {  	[smem:$0x3FAB] =	sst s1  }
0xa: {  	[smem:$0x3FAC] =	sst s2  }
0xb: {  	[smem:$0x3FAD] =	sst s3  }
0xc: {  	[smem:$0x3FAE] =	sst s4  }
0xd: {  	[smem:$0x3FAF] =	sst s5  }
0xe: {  	[smem:$0x3FB0] =	sst s6  }
0xf: {  	[smem:$0x3FB1] =	sst s7  }
0x10: {  	[smem:$0x3FB2] =	sst s8  }
0x11: {  	[smem:$0x3FB3] =	sst s9;
	s0 =	simm.s32 @!p0 $0x0  }
0x12: {  	s1 =	sld [smem:$0x3F99];
	s0 =	simm.s32 @p0 $0x1  }
0x13: {  	[smem:$0x3FB4] =	sst s0;
	s0 =	simm.s32 @!p1 $0x0  }
0x14: {  	s2 =	sld [smem:$0x3F98];
	s0 =	simm.s32 @p1 $0x1  }
0x15: {  	[smem:$0x3FB5] =	sst s0;
	s0 =	simm.s32 @!p2 $0x0  }
0x16: {  	s3 =	sld [smem:$0x3FDB];
	s0 =	simm.s32 @p2 $0x1  }
0x17: {  	s4 =	simm.s32 $0x1BF5;
	[smem:$0x3FB7] =	sst s0  }
0x18: {  	s0 =	sld [smem:$0x3F9A];
	_ =	swait.ge [sflag:s4], $0x0  }
0x19: {  	s7 =	sld [smem:$0x3F9B]  }
0x1a: {  	s8 =	sadd.s32 $0xFFFFE003, lr  }
0x1b: {  	s9 =	sadd.s32 $0xFFFFFEF7, lr;
	s5 =	simm.s32 $0xFFFFFFFF;
	p2 =	slt.u32 s8, $0xFFFFF086  }
0x1c: {  	p1 =	slt.u32 s9, $0xF7A;
	s5 =	simm.s32 @!p2 $0x0  }
0x1d: {  	s5 =	simm.s32 @p1 $0x1;
	p0 =	seq.s32 s7, s2  }
0x1e: {  	s7 =	smul.u32 @!p0 $0xF7A, s2;
	p2 =	seq.s32 @!p0 s5, $0x0  }
0x1f: {  	s9 =	smul.u32 $0xF7A, s1;
	s8 =	simm.s32 @!p0 $0x1BF5;
	p2 =	por !p2, p0  }
0x20: {  	[sflag:s8] =	ssyncset.s32 @!p0 $0xFFFFF086;
	s6 =	sadd.s32 @!p0 s3, s7;
	s7 =	simm.s32 @!p0 $0x108  }
0x21: {  	s3 =	sadd.s32 s3, s9;
	s6 =	sadd.s32 @!p0 $0x88, s6;
	s7 =	simm.s32 @p2 $0x1082  }
0x22: {  	[simem:s7], [sflag:s8] =	dma.local @!p0 [hbm:s6], $0xF7A  }
0x23: {  	s9 =	sor.u32 $0xD0000000, s2;
	s6 =	simm.s32 $0x108;
	_ =	swait.ge @!p0 [sflag:s8], $0x0  }
0x24: {  	s3 =	sadd.s32 $0x88, s3;
	s6 =	simm.s32 @!p1 $0x1082;
	[sflag:s4] =	ssyncset.s32 $0xFFFFF086  }
0x25: {  	[simem:s6], [sflag:s4] =	dma.local [hbm:s3], $0xF7A  }
0x26: {  	[smem:$0x3F9B] =	sst s1;
	(tag) =	ssettag s2;
	_ =	strace s9  }
0x27: {  	s1 =	sld [smem:$0x3FAB]  }
0x28: {  	s2 =	sld [smem:$0x3FAC]  }
0x29: {  	s4 =	sld [smem:$0x3FAE]  }
0x2a: {  	p0 =	seq.s32 s5, $0x0;
	s5 =	sld [smem:$0x3FAF]  }
0x2b: {  	s6 =	sld [smem:$0x3FB0]  }
0x2c: {  	s7 =	sld [smem:$0x3FB1]  }
0x2d: {  	s3 =	simm.s32 $0x108;
	s8 =	sld [smem:$0x3FB2]  }
0x2e: {  	s3 =	simm.s32 @!p0 $0x1082;
	s9 =	sld [smem:$0x3FB3]  }
0x2f: {  	lr =	sadd.s32 s0, s3;
	s0 =	sld [smem:$0x3FAA]  }
0x30: {  	s3 =	sld [smem:$0x3FAD]  }
0x31: {  	[smem:$0x3FB6] =	sst s10  }
0x32: {  	s10 =	sld [smem:$0x3FB4];
	_ =	sdelay $0x3  }
0x33: {  	p0 =	seq.s32 s10, $0x1;
	s10 =	sld [smem:$0x3FB6];
	_ =	sdelay $0x3  }
0x34: {  	[smem:$0x3FB6] =	sst s10  }
0x35: {  	s10 =	sld [smem:$0x3FB5];
	_ =	sdelay $0x3  }
0x36: {  	p1 =	seq.s32 s10, $0x1;
	s10 =	sld [smem:$0x3FB6];
	_ =	sdelay $0x3  }
0x37: {  	[smem:$0x3FB6] =	sst s10  }
0x38: {  	s10 =	sld [smem:$0x3FB7]  }
0x39: {  	_ = 	snop;
	(pc) =	sbr.ind lr, $3  }
0x3a: {  	_ = 	snop  }
0x3b: {  	_ = 	snop  }
0x3c: {  	p2 =	seq.s32 s10, $0x1;
	s10 =	sld [smem:$0x3FB6]  }
0x3d: {  	_ =	shalt  }
0x3e: {  	_ =	shalt  }
0x3f: {  	_ =	shalt  }
0x40: {  	_ =	shalt  }
0x41: {  	_ =	shalt  }
0x42: {  	_ =	shalt  }
0x43: {  	_ =	shalt  }
0x44: {  	_ =	shalt  }
0x45: {  	_ =	shalt  }
0x46: {  	_ =	shalt  }
0x47: {  	_ =	shalt  }
0x48: {  	_ =	shalt  }
0x49: {  	_ =	shalt  }
0x4a: {  	_ =	shalt  }
0x4b: {  	_ =	shalt  }
0x4c: {  	_ =	shalt  }
0x4d: {  	_ =	shalt  }
0x4e: {  	_ =	shalt  }
0x4f: {  	_ =	shalt  }
0x50: {  	_ =	shalt  }
0x51: {  	_ =	shalt  }
0x52: {  	_ =	shalt  }
0x53: {  	_ =	shalt  }
0x54: {  	_ =	shalt  }
0x55: {  	_ =	shalt  }
0x56: {  	_ =	shalt  }
0x57: {  	_ =	shalt  }
0x58: {  	_ =	shalt  }
0x59: {  	_ =	shalt  }
0x5a: {  	_ =	shalt  }
0x5b: {  	_ =	shalt  }
0x5c: {  	_ =	shalt  }
0x5d: {  	_ =	shalt  }
0x5e: {  	_ =	shalt  }
0x5f: {  	_ =	shalt  }
0x60: {  	_ =	shalt  }
0x61: {  	_ =	shalt  }
0x62: {  	_ =	shalt  }
0x63: {  	_ =	shalt  }
0x64: {  	_ =	shalt  }
0x65: {  	_ =	shalt  }
0x66: {  	_ =	shalt  }
0x67: {  	_ =	shalt  }
0x68: {  	_ =	shalt  }
0x69: {  	_ =	shalt  }
0x6a: {  	_ =	shalt  }
0x6b: {  	_ =	shalt  }
0x6c: {  	_ =	shalt  }
0x6d: {  	_ =	shalt  }
0x6e: {  	_ =	shalt  }
0x6f: {  	_ =	shalt  }
0x70: {  	_ =	shalt  }
0x71: {  	_ =	shalt  }
0x72: {  	_ =	shalt  }
0x73: {  	_ =	shalt  }
0x74: {  	_ =	shalt  }
0x75: {  	_ =	shalt  }
0x76: {  	_ =	shalt  }
0x77: {  	_ =	shalt  }
0x78: {  	_ =	shalt  }
0x79: {  	_ =	shalt  }
0x7a: {  	_ =	shalt  }
0x7b: {  	_ =	shalt  }
0x7c: {  	_ =	shalt  }
0x7d: {  	_ =	shalt  }
0x7e: {  	_ =	shalt  }
0x7f: {  	_ =	shalt  }
0x80: {  	_ =	shalt  }
0x81: {  	_ =	shalt  }
0x82: {  	_ =	shalt  }
0x83: {  	_ =	shalt  }
0x84: {  	_ =	shalt  }
0x85: {  	_ =	shalt  }
0x86: {  	_ =	shalt  }
0x87: {  	_ =	shalt  }
.Lfunc_end0:
.L_simem_size_0:
called_computation.2_lowered:
.L_overlay_start_0:
0x88: {  	s2 =	sld [smem:$0x3FD9]  }
0x89: {  	s3 =	sld [smem:$0x3FFE];
	_ =	sdelay $0x1  }
0x8a: {  	s1 =	srdreg.scid  }
0x8b: {  	s0 =	sand.u32 $0x1, s1  }
0x8c: {  	s17 =	sshll.u32 s0, $0xA;
	s2 =	sadd.s32 s3, s2  }
0x8d: {  	s2 =	sadd.s32 s2, s17  }
0x8e: {  	[smem:$0x3FC2] =	sst s2  }
0x8f: {  	_ = 	snop  }
0x90: {  	s2 =	sld [smem:$0x3FD0];
	(tm) =	ssettm $0x1  }
0x91: {  	s18 =	sld [smem:$0x3FFB];
	_ =	sdelay $0x3  }
0x92: {  	_ =	strace s18  }
0x93: {  	s3 =	sld [smem:$0x3FFC];
	_ =	sdelay $0x3  }
0x94: {  	_ =	strace s3  }
0x95: {  	s3 =	sld [smem:$0x3FFD];
	_ =	sdelay $0x3  }
0x96: {  	_ =	strace s3  }
0x97: {  	_ =	strace $0x8FFFFFFF  }
0x98: {  	s19 =	sld [smem:$0x3FDB];
	_ =	sdelay $0x1  }
0x99: {  	s4 =	simm.s32 $_scs_section_size  }
0x9a: {  	s5 =	simm.s32 $_size__tile_overlayer_lowered;
	s6 =	simm.s32 $_tile_overlayer_lowered  }
0x9b: {  	s22 =	simm.s32 $0x1BFF;
	s21 =	sshll.u32 s6, $0x1;
	s3 =	sadd.s32 s4, s19  }
0x9c: {  	s7 =	simm.s32 $0x0;
	s20 =	sshll.u32 s5, $0x1;
	s5 =	sadd.s32 s21, s3  }
0x9d: {  	[timem:s7], [sflag:s22] =	dma.local [hbm:s5], s20  }
0x9e: {  	_ =	swait.ge [sflag:s22], s20  }
0x9f: {  	s4 =	ssub.s32 $0x0, s20;
	[sflag:s22] =	ssyncset.done $0x0  }
0xa0: {  	[sflag:s22] =	ssyncadd.s32 s4;
	_ =	sdelay $0x1  }
0xa1: {  	s23 =	simm.s32 $0x1B8B  }
0xa2: {  	_ =	swait.ge [sflag:s23], $0x1  }
0xa3: {  	[sflag:s23] =	ssyncset.done $0x0  }
0xa4: {  	s25 =	simm.s32 $0x1B8E;
	s24 =	sld [smem:$0x3FFE];
	[sflag:s23] =	ssyncadd.s32 $0xFFFFFFFF  }
0xa5: {  	s26 =	simm.s32 $execute0_lowered;
	[smem:$0x3FD2] =	sst s25  }
0xa6: {  	s5 =	sshll.u32 s26, $0x1;
	_ =	strace $0x8000004C;
	[dreg:$0x1] =	wrdreg $0xFFFFFFFF  }
0xa7: {  	s28 =	simm.s32 $_size_execute0_lowered;
	s3 =	sadd.s32 s3, s5;
	[dreg:$0x0] =	wrdreg $0x0  }
0xa8: {  	s5 =	sshll.u32 s28, $0x1;
	[dreg:$0x2] =	wrdreg s3  }
0xa9: {  	[dreg:$0x3] =	wrdreg s5  }
0xaa: {  	[dreg:$0x4] =	wrdreg $0xC0  }
0xab: {  	_ =	task [dreg:s7], $0x5FFFF  }
0xac: {  	[dreg:$0x1] =	wrdreg $0xFFFFFFFF  }
0xad: {  	[dreg:$0x0] =	wrdreg $0x60  }
0xae: {  	[dreg:$0x2] =	wrdreg s2  }
0xaf: {  	[dreg:$0x3] =	wrdreg s24  }
0xb0: {  	[dreg:$0x4] =	wrdreg $0x45000  }
0xb1: {  	[dreg:$0x5] =	wrdreg $0x9  }
0xb2: {  	_ =	task.clear_ibuf [dreg:s7], $0x6FFFF;
	_ =	strace $0x9000004C  }
0xb3: {  	s29 =	simm.s32 $0x9;
	_ =	strace $0x8000004E  }
0xb4: {  	_ =	swait.ge [sflag:s29], $0x1  }
0xb5: {  	[sflag:s29] =	ssyncadd.s32 $0xFFFFFFFF  }
0xb6: {  	_ =	strace $0x9000004E  }
0xb7: {  	_ =	sfence  }
0xb8: {  	s30 =	sld [smem:$0x0];
	_ =	sdelay $0x2  }
0xb9: {  	s31 =	sshll.u32 s1, $0xD;
	s1 =	sshrl.u32 s1, $0x2  }
0xba: {  	s3 =	sand.u32 $0x4000, s31;
	s1 =	sadd.s32 s1, s30  }
0xbb: {  	s0 =	sor.u32 s3, s0;
	s1 =	sshll.u32 s1, $0x11  }
0xbc: {  	s0 =	sor.u32 s1, s0  }
0xbd: {  	s0 =	sadd.s32 $0x8F2B, s0  }
0xbe: {  	[sflag:s0] =	ssyncadd.remote.s32 $0x1  }
0xbf: {  	_ =	sfence.sel $0xFFFF  }
0xc0: {  	[dreg:$0x0] =	wrdreg $0xFFFFFFFF;
	(pc) =	sbr.abs _section_cstart, $3  }
0xc1: {  	[dreg:$0x1] =	wrdreg $0xFFFFFFFF  }
0xc2: {  	_ =	task.clear_ibuf [dreg:s7], $0x2FFFF;
	_ =	strace $0x9FFFFFFF  }
0xc3: {  	(tm) =	ssettm $0x7FFFFFFF  }
tec
execute0_lowered:
.L_overlay_start_1:
0x0: {  	(tag) =	ssettag $0x1  }
0x1: {  	s7 =	rddreg [dreg:$0x0]  }
0x2: {  	s5 =	rddreg [dreg:$0x1]  }
0x3: {  	s0 =	stileid.u32;
	s1 =	srdreg.scid  }
0x4: {  	s2 =	rddreg [dreg:$0x2];
	s3 =	simm.s32 $0x0;
	s8 =	smul.u32 $0x9E0, s0  }
0x5: {  	s6 =	sand.u32 $0x1, s1;
	s1 =	rddreg [dreg:$0x3];
	s9 =	smul.u32 $0x14000, s0  }
0x6: {  	s17 =	simm.s32 $0x0;
	[smem:$0x7FF] =	sst s3;
	s11 =	smul.u32 $0x50000, s0  }
0x7: {  	s15 =	sshll.u32 s0, $0x6;
	s4 =	smul.u32 $0x140000, s6;
	_ =	strace $0x8000004D  }
0x8: {  	s12 =	ssub.s32 $0x2, s6;
	s14 =	smul.u32 $0x4F0, s6;
	s15 =	sor.u32 $0x1C02, s15  }
0x9: {  	s10 =	sadd.s32 s8, s5;
	s13 =	sshrl.u32 s12, $0x1;
	s11 =	sshrl.u32 s11, $0x2  }
0xa: {  	s31 =	sadd.s32 s8, s7;
	s9 =	sadd.s32 s9, s4;
	s4 =	sadd.s32 $0xC600, s5  }
0xb: {  	s30 =	ssub.s32 s12, s13;
	s10 =	sadd.s32 s14, s10;
	s12 =	simm.s32 $0x80  }
0xc: {  	s13 =	simm.s32 $0x100;
	s9 =	sshrl.u32 s9, $0x3;
	s7 =	smax.u32 s30, $0x1  }
0xd: {  	s8 =	sadd.s32 $0x2800, s10;
	s10 =	simm.s32 $0x4100;
	s29 =	sadd.s32 s9, s5  }
0xe: {  	s5 =	sadd.s32 s11, s2;
	s9 =	sadd.s32 s14, s31;
	s11 =	simm.s32 $0x2  }
0xf: {  	v0 =	vimm.f32 $0.0e+00;
	s14 =	simm.s32 $0x1;
	s6 =	sadd.s32 $0x34600, s29;
	s16 =	sshrl.u32 s5, $0x3  }
.LBB2_1:
0x10: {  	[tilespmem:$0x4100] =	vst v0  }
0x11: {  	[tilespmem:$0x4110] =	vst v0  }
0x12: {  	[tilespmem:$0x4120] =	vst v0  }
0x13: {  	[tilespmem:$0x4130] =	vst v0  }
0x14: {  	[tilespmem:$0x4140] =	vst v0  }
0x15: {  	[tilespmem:$0x4150] =	vst v0  }
0x16: {  	[tilespmem:$0x4160] =	vst v0  }
0x17: {  	[tilespmem:$0x4170] =	vst v0  }
0x18: {  	[tilespmem:$0x4180] =	vst v0  }
0x19: {  	[tilespmem:$0x4190] =	vst v0  }
0x1a: {  	[tilespmem:$0x41A0] =	vst v0  }
0x1b: {  	[tilespmem:$0x41B0] =	vst v0  }
0x1c: {  	[tilespmem:$0x41C0] =	vst v0  }
0x1d: {  	[tilespmem:$0x41D0] =	vst v0  }
0x1e: {  	[tilespmem:$0x41E0] =	vst v0  }
0x1f: {  	[tilespmem:$0x41F0] =	vst v0  }
0x20: {  	[tilespmem:$0x4200] =	vst v0  }
0x21: {  	[tilespmem:$0x4210] =	vst v0  }
0x22: {  	[tilespmem:$0x4220] =	vst v0  }
0x23: {  	[tilespmem:$0x4230] =	vst v0  }
0x24: {  	[tilespmem:$0x4240] =	vst v0  }
0x25: {  	[tilespmem:$0x4250] =	vst v0  }
0x26: {  	[tilespmem:$0x4260] =	vst v0  }
0x27: {  	[tilespmem:$0x4270] =	vst v0  }
0x28: {  	[tilespmem:$0x4280] =	vst v0  }
0x29: {  	[tilespmem:$0x4290] =	vst v0  }
0x2a: {  	[tilespmem:$0x42A0] =	vst v0  }
0x2b: {  	[tilespmem:$0x42B0] =	vst v0  }
0x2c: {  	[tilespmem:$0x42C0] =	vst v0  }
0x2d: {  	[tilespmem:$0x42D0] =	vst v0  }
0x2e: {  	[tilespmem:$0x42E0] =	vst v0  }
0x2f: {  	[tilespmem:$0x42F0] =	vst v0  }
0x30: {  	[tilespmem:$0x4300] =	vst v0  }
0x31: {  	[tilespmem:$0x4310] =	vst v0  }
0x32: {  	[tilespmem:$0x4320] =	vst v0  }
0x33: {  	[tilespmem:$0x4330] =	vst v0  }
0x34: {  	[tilespmem:$0x4340] =	vst v0  }
0x35: {  	[tilespmem:$0x4350] =	vst v0  }
0x36: {  	[tilespmem:$0x4360] =	vst v0  }
0x37: {  	[tilespmem:$0x4370] =	vst v0  }
0x38: {  	[tilespmem:$0x4380] =	vst v0  }
0x39: {  	[tilespmem:$0x4390] =	vst v0  }
0x3a: {  	[tilespmem:$0x43A0] =	vst v0  }
0x3b: {  	[tilespmem:$0x43B0] =	vst v0  }
0x3c: {  	[tilespmem:$0x43C0] =	vst v0  }
0x3d: {  	[tilespmem:$0x43D0] =	vst v0  }
0x3e: {  	[tilespmem:$0x43E0] =	vst v0  }
0x3f: {  	[tilespmem:$0x43F0] =	vst v0  }
0x40: {  	[tilespmem:$0x4400] =	vst v0  }
0x41: {  	[tilespmem:$0x4410] =	vst v0  }
0x42: {  	[tilespmem:$0x4420] =	vst v0  }
0x43: {  	[tilespmem:$0x4430] =	vst v0  }
0x44: {  	[tilespmem:$0x4440] =	vst v0  }
0x45: {  	[tilespmem:$0x4450] =	vst v0  }
0x46: {  	[tilespmem:$0x4460] =	vst v0  }
0x47: {  	[tilespmem:$0x4470] =	vst v0  }
0x48: {  	[tilespmem:$0x4480] =	vst v0  }
0x49: {  	[tilespmem:$0x4490] =	vst v0  }
0x4a: {  	[tilespmem:$0x44A0] =	vst v0  }
0x4b: {  	[tilespmem:$0x44B0] =	vst v0  }
0x4c: {  	[tilespmem:$0x44C0] =	vst v0  }
0x4d: {  	[tilespmem:$0x44D0] =	vst v0  }
0x4e: {  	[tilespmem:$0x44E0] =	vst v0  }
0x4f: {  	[tilespmem:$0x44F0] =	vst v0;
	s18 =	sadd.s32 $0x0, s5  }
0x50: {  	[spmem:s18] =	stream.linear.scatter [tilespmem:s10], [sflag:$0x2], $0x400, $0x38;
	[tilespmem:$0x18500] =	vst v63  }
0x51: {  	s18 =	simm.s32 $0x1000;
	_ =	swait.ge [sflag:s11], $0x400  }
.LBB2_2:
0x52: {  	s19 =	sshra.s32 s18, $0x2;
	[sflag:s11] =	ssyncset.done $0x0;
	p0 =	sne.s32 s18, $0x4F000  }
.Ltmp0:
0x53: {  	s19 =	sadd.s32 s19, s5;
	[sflag:s11] =	ssyncadd.s32 $0xFFFFFC00;
	(pc) =	sbr.rel @p0 .LBB2_2-.Ltmp0, $3  }
0x54: {  	[spmem:s19] =	stream.linear.scatter [tilespmem:s10], [sflag:$0x2], $0x400, $0x38;
	[tilespmem:$0x18500] =	vst v63  }
0x55: {  	s18 =	sadd.s32 $0x1000, s18;
	_ =	sdelay $0x1  }
0x56: {  	_ =	swait.ge [sflag:s11], $0x400  }
0x57: {  	[sflag:s11] =	ssyncset.done $0x0  }
0x58: {  	[sflag:s11] =	ssyncadd.s32 $0xFFFFFC00  }
0x59: {  	s18 =	sadd.s32 $0x0, s9;
	[bflag:$0x0] =	sbarrier.arrive $0xFFFF  }
0x5a: {  	[tilespmem:s3], [sflag:$0x2] =	stream.linear.gather [hbm4b:s18+s3], $0x80, $0x38;
	[tilespmem:$0x18500] =	vst v63  }
0x5b: {  	_ =	swait.ge [sflag:s11], $0x80  }
0x5c: {  	[sflag:s11] =	ssyncset.done $0x0  }
0x5d: {  	s31 =	sadd.s32 $0x0, s8;
	[sflag:s11] =	ssyncadd.s32 $0xFFFFFF80  }
0x5e: {  	[tilespmem:s12], [sflag:$0x2] =	stream.linear.gather [hbm4b:s31+s3], $0x80, $0x38;
	[tilespmem:$0x18500] =	vst v63  }
0x5f: {  	_ =	swait.ge [sflag:s11], $0x80  }
0x60: {  	[sflag:s11] =	ssyncset.done $0x0  }
0x61: {  	[sflag:s11] =	ssyncadd.s32 $0xFFFFFF80  }
0x62: {  	[tilespmem:s13], [sflag:$0x1] =	stream.indirect.gather [hbm4b:s4+s12], $0x80, s3, s12, $0xb8;
	[tilespmem:$0x18500] =	vst v63  }
0x63: {  	_ =	swait.ge [sflag:s14], $0x4000  }
0x64: {  	[sflag:s14] =	ssyncset.done $0x0  }
0x65: {  	[sflag:s14] =	ssyncadd.s32 $0xFFFFC000  }
0x66: {  	[spmem:s2] =	stream.indirect.scatter.add.f32 [tilespmem:s13], [sflag:$0x2], $0x80, s12, s12, $0xb8;
	[tilespmem:$0x18500] =	vst v63  }
0x67: {  	_ =	swait.ge [sflag:s11], $0x4000  }
0x68: {  	s19 =	simm.s32 $0x20;
	s18 =	simm.s32 $0x10;
	[sflag:s11] =	ssyncset.done $0x0  }
.LBB2_4:
0x69: {  	s20 =	sadd.s32 s18, s9  }
0x6a: {  	[sflag:s11] =	ssyncadd.s32 $0xFFFFC000;
	s21 =	smov.u32 s19;
	s22 =	sadd.s32 $0x10, s19  }
0x6b: {  	[tilespmem:s3], [sflag:$0x2] =	stream.linear.gather [hbm4b:s20+s3], $0x80, $0x38;
	[tilespmem:$0x18500] =	vst v63  }
0x6c: {  	p0 =	sne.s32 s19, $0x4E0;
	_ =	swait.ge [sflag:s11], $0x80  }
0x6d: {  	[sflag:s11] =	ssyncset.done $0x0  }
0x6e: {  	s19 =	sadd.s32 s18, s8;
	s18 =	smov.u32 s21;
	[sflag:s11] =	ssyncadd.s32 $0xFFFFFF80  }
0x6f: {  	[tilespmem:s12], [sflag:$0x2] =	stream.linear.gather [hbm4b:s19+s3], $0x80, $0x38;
	[tilespmem:$0x18500] =	vst v63  }
0x70: {  	_ =	swait.ge [sflag:s11], $0x80  }
0x71: {  	[sflag:s11] =	ssyncset.done $0x0  }
0x72: {  	[sflag:s11] =	ssyncadd.s32 $0xFFFFFF80  }
0x73: {  	[tilespmem:s13], [sflag:$0x1] =	stream.indirect.gather [hbm4b:s4+s12], $0x80, s3, s12, $0xb8;
	[tilespmem:$0x18500] =	vst v63  }
0x74: {  	_ =	swait.ge [sflag:s14], $0x4000  }
.Ltmp1:
0x75: {  	[sflag:s14] =	ssyncset.done $0x0;
	(pc) =	sbr.rel @p0 .LBB2_4-.Ltmp1, $4  }
0x76: {  	[sflag:s14] =	ssyncadd.s32 $0xFFFFC000  }
0x77: {  	[spmem:s2] =	stream.indirect.scatter.add.f32 [tilespmem:s13], [sflag:$0x2], $0x80, s12, s12, $0xb8;
	[tilespmem:$0x18500] =	vst v63  }
0x78: {  	_ =	swait.ge [sflag:s11], $0x4000  }
0x79: {  	s19 =	smov.u32 s22;
	[sflag:s11] =	ssyncset.done $0x0  }
0x7a: {  	s19 =	sadd.s32 s18, s9;
	[sflag:s11] =	ssyncadd.s32 $0xFFFFC000  }
0x7b: {  	[tilespmem:s3], [sflag:$0x2] =	stream.linear.gather [hbm4b:s19+s3], $0x80, $0x38;
	[tilespmem:$0x18500] =	vst v63  }
0x7c: {  	_ =	swait.ge [sflag:s11], $0x80  }
0x7d: {  	[sflag:s11] =	ssyncset.done $0x0  }
0x7e: {  	s31 =	sadd.s32 s18, s8;
	[sflag:s11] =	ssyncadd.s32 $0xFFFFFF80  }
0x7f: {  	[tilespmem:s12], [sflag:$0x2] =	stream.linear.gather [hbm4b:s31+s3], $0x80, $0x38;
	[tilespmem:$0x18500] =	vst v63  }
0x80: {  	_ =	swait.ge [sflag:s11], $0x80  }
0x81: {  	[sflag:s11] =	ssyncset.done $0x0  }
0x82: {  	[sflag:s11] =	ssyncadd.s32 $0xFFFFFF80  }
0x83: {  	[tilespmem:s13], [sflag:$0x1] =	stream.indirect.gather [hbm4b:s4+s12], $0x80, s3, s12, $0xb8;
	[tilespmem:$0x18500] =	vst v63  }
0x84: {  	_ =	swait.ge [sflag:s14], $0x4000  }
0x85: {  	[sflag:s14] =	ssyncset.done $0x0  }
0x86: {  	[sflag:s14] =	ssyncadd.s32 $0xFFFFC000  }
0x87: {  	[spmem:s2] =	stream.indirect.scatter.add.f32 [tilespmem:s13], [sflag:$0x2], $0x80, s12, s12, $0xb8;
	[tilespmem:$0x18500] =	vst v63  }
0x88: {  	_ =	swait.ge [sflag:s11], $0x4000  }
0x89: {  	s17 =	sadd.s32 $0x1, s17;
	[sflag:s11] =	ssyncset.done $0x0  }
0x8a: {  	p0 =	sne.s32 s17, s7;
	[sflag:s11] =	ssyncadd.s32 $0xFFFFC000  }
.Ltmp2:
0x8b: {  	[bflag:$0x0] =	sbarrier.arrive $0xFFFF;
	(pc) =	sbr.rel @p0 .LBB2_1-.Ltmp2, $4  }
0x8c: {  	[hbm:s6], [sflag:s15] =	dma.local [spmem:s16], $0x2800  }
0x8d: {  	_ =	swait.ge [sflag:s11], $0x2800  }
0x8e: {  	[sflag:s11] =	ssyncset.done $0x0  }
0x8f: {  	[sflag:s11] =	ssyncadd.s32 $0xFFFFD800  }
0x90: {  	_ =	sfence.sel $0x180000  }
0x91: {  	[bflag:$0x0] =	sbarrier.arrive $0xFFFF  }
0x92: {  	p0 =	sne.s32 s0, $0x0;
	_ =	strace $0x9000004D  }
0x93: {  	s0 =	sadd.s32 @!p0 $0x100000, s1;
	[bflag:$0x2] =	sbarrier.arrive $0xFFFF  }
0x94: {  	[sflag:s0] =	ssyncadd.tile.s32 @!p0 $0x1;
	_ =	shalt  }
.Lfunc_end2:
_tile_overlayer_lowered:
.L_overlay_start_2:
0x95: {  	(tag) =	ssettag $0x2  }
0x96: {  	s0 =	rddreg [dreg:$0x0];
	s2 =	stileid.u32  }
0x97: {  	s1 =	rddreg [dreg:$0x1];
	p0 =	sne.s32 s2, $0x0  }
0x98: {  	s3 =	rddreg [dreg:$0x2];
	[bflag:$0x3] =	sbarrier.arrive $0xFFFF;
	s2 =	simm.s32 @!p0 $0x1C02  }
0x99: {  	[timem:s3], [sflag:s2] =	dma.local @!p0 [hbm:s0], s1  }
0x9a: {  	s0 =	simm.s32 @!p0 $0x2  }
0x9b: {  	_ =	swait.ge @!p0 [sflag:s0], s1  }
0x9c: {  	s1 =	ssub.s32 @!p0 $0x0, s1;
	[sflag:s0] =	ssyncset.done @!p0 $0x0  }
0x9d: {  	[sflag:s0] =	ssyncadd.s32 @!p0 s1  }
0x9e: {  	[bflag:$0x3] =	sbarrier.arrive $0xFFFF  }
0x9f: {  	_ =	shalt  }

// kernel: kernel.8.cloned.1.call-start
scs
__scs_entry_jumppad:
0x0: {  	(pc) =	sbr.rel $0x88, $3  }
0x1: {  	(tag) =	ssettag $0x0;
	lr =	simm.s32 $0x1  }
0x2: {  	[smem:$0x3F9B] =	sst lr;
	_ =	strace $0xD0000000  }
0x3: {  	_ = 	snop  }
0x4: {  	_ = 	snop  }
0x5: {  	_ = 	snop  }
0x6: {  	_ = 	snop  }
0x7: {  	_ = 	snop  }
__scs_overlays_trampoline_lowered:
0x8: {  	[smem:$0x3FAA] =	sst s0  }
0x9: {  	[smem:$0x3FAB] =	sst s1  }
0xa: {  	[smem:$0x3FAC] =	sst s2  }
0xb: {  	[smem:$0x3FAD] =	sst s3  }
0xc: {  	[smem:$0x3FAE] =	sst s4  }
0xd: {  	[smem:$0x3FAF] =	sst s5  }
0xe: {  	[smem:$0x3FB0] =	sst s6  }
0xf: {  	[smem:$0x3FB1] =	sst s7  }
0x10: {  	[smem:$0x3FB2] =	sst s8  }
0x11: {  	[smem:$0x3FB3] =	sst s9;
	s0 =	simm.s32 @!p0 $0x0  }
0x12: {  	s1 =	sld [smem:$0x3F99];
	s0 =	simm.s32 @p0 $0x1  }
0x13: {  	[smem:$0x3FB4] =	sst s0;
	s0 =	simm.s32 @!p1 $0x0  }
0x14: {  	s2 =	sld [smem:$0x3F98];
	s0 =	simm.s32 @p1 $0x1  }
0x15: {  	[smem:$0x3FB5] =	sst s0;
	s0 =	simm.s32 @!p2 $0x0  }
0x16: {  	s3 =	sld [smem:$0x3FDB];
	s0 =	simm.s32 @p2 $0x1  }
0x17: {  	s4 =	simm.s32 $0x1BF5;
	[smem:$0x3FB7] =	sst s0  }
0x18: {  	s0 =	sld [smem:$0x3F9A];
	_ =	swait.ge [sflag:s4], $0x0  }
0x19: {  	s7 =	sld [smem:$0x3F9B]  }
0x1a: {  	s8 =	sadd.s32 $0xFFFFE003, lr  }
0x1b: {  	s9 =	sadd.s32 $0xFFFFFEF7, lr;
	s5 =	simm.s32 $0xFFFFFFFF;
	p2 =	slt.u32 s8, $0xFFFFF086  }
0x1c: {  	p1 =	slt.u32 s9, $0xF7A;
	s5 =	simm.s32 @!p2 $0x0  }
0x1d: {  	s5 =	simm.s32 @p1 $0x1;
	p0 =	seq.s32 s7, s2  }
0x1e: {  	s7 =	smul.u32 @!p0 $0xF7A, s2;
	p2 =	seq.s32 @!p0 s5, $0x0  }
0x1f: {  	s9 =	smul.u32 $0xF7A, s1;
	s8 =	simm.s32 @!p0 $0x1BF5;
	p2 =	por !p2, p0  }
0x20: {  	[sflag:s8] =	ssyncset.s32 @!p0 $0xFFFFF086;
	s6 =	sadd.s32 @!p0 s3, s7;
	s7 =	simm.s32 @!p0 $0x108  }
0x21: {  	s3 =	sadd.s32 s3, s9;
	s6 =	sadd.s32 @!p0 $0x88, s6;
	s7 =	simm.s32 @p2 $0x1082  }
0x22: {  	[simem:s7], [sflag:s8] =	dma.local @!p0 [hbm:s6], $0xF7A  }
0x23: {  	s9 =	sor.u32 $0xD0000000, s2;
	s6 =	simm.s32 $0x108;
	_ =	swait.ge @!p0 [sflag:s8], $0x0  }
0x24: {  	s3 =	sadd.s32 $0x88, s3;
	s6 =	simm.s32 @!p1 $0x1082;
	[sflag:s4] =	ssyncset.s32 $0xFFFFF086  }
0x25: {  	[simem:s6], [sflag:s4] =	dma.local [hbm:s3], $0xF7A  }
0x26: {  	[smem:$0x3F9B] =	sst s1;
	(tag) =	ssettag s2;
	_ =	strace s9  }
0x27: {  	s1 =	sld [smem:$0x3FAB]  }
0x28: {  	s2 =	sld [smem:$0x3FAC]  }
0x29: {  	s4 =	sld [smem:$0x3FAE]  }
0x2a: {  	p0 =	seq.s32 s5, $0x0;
	s5 =	sld [smem:$0x3FAF]  }
0x2b: {  	s6 =	sld [smem:$0x3FB0]  }
0x2c: {  	s7 =	sld [smem:$0x3FB1]  }
0x2d: {  	s3 =	simm.s32 $0x108;
	s8 =	sld [smem:$0x3FB2]  }
0x2e: {  	s3 =	simm.s32 @!p0 $0x1082;
	s9 =	sld [smem:$0x3FB3]  }
0x2f: {  	lr =	sadd.s32 s0, s3;
	s0 =	sld [smem:$0x3FAA]  }
0x30: {  	s3 =	sld [smem:$0x3FAD]  }
0x31: {  	[smem:$0x3FB6] =	sst s10  }
0x32: {  	s10 =	sld [smem:$0x3FB4];
	_ =	sdelay $0x3  }
0x33: {  	p0 =	seq.s32 s10, $0x1;
	s10 =	sld [smem:$0x3FB6];
	_ =	sdelay $0x3  }
0x34: {  	[smem:$0x3FB6] =	sst s10  }
0x35: {  	s10 =	sld [smem:$0x3FB5];
	_ =	sdelay $0x3  }
0x36: {  	p1 =	seq.s32 s10, $0x1;
	s10 =	sld [smem:$0x3FB6];
	_ =	sdelay $0x3  }
0x37: {  	[smem:$0x3FB6] =	sst s10  }
0x38: {  	s10 =	sld [smem:$0x3FB7]  }
0x39: {  	_ = 	snop;
	(pc) =	sbr.ind lr, $3  }
0x3a: {  	_ = 	snop  }
0x3b: {  	_ = 	snop  }
0x3c: {  	p2 =	seq.s32 s10, $0x1;
	s10 =	sld [smem:$0x3FB6]  }
0x3d: {  	_ =	shalt  }
0x3e: {  	_ =	shalt  }
0x3f: {  	_ =	shalt  }
0x40: {  	_ =	shalt  }
0x41: {  	_ =	shalt  }
0x42: {  	_ =	shalt  }
0x43: {  	_ =	shalt  }
0x44: {  	_ =	shalt  }
0x45: {  	_ =	shalt  }
0x46: {  	_ =	shalt  }
0x47: {  	_ =	shalt  }
0x48: {  	_ =	shalt  }
0x49: {  	_ =	shalt  }
0x4a: {  	_ =	shalt  }
0x4b: {  	_ =	shalt  }
0x4c: {  	_ =	shalt  }
0x4d: {  	_ =	shalt  }
0x4e: {  	_ =	shalt  }
0x4f: {  	_ =	shalt  }
0x50: {  	_ =	shalt  }
0x51: {  	_ =	shalt  }
0x52: {  	_ =	shalt  }
0x53: {  	_ =	shalt  }
0x54: {  	_ =	shalt  }
0x55: {  	_ =	shalt  }
0x56: {  	_ =	shalt  }
0x57: {  	_ =	shalt  }
0x58: {  	_ =	shalt  }
0x59: {  	_ =	shalt  }
0x5a: {  	_ =	shalt  }
0x5b: {  	_ =	shalt  }
0x5c: {  	_ =	shalt  }
0x5d: {  	_ =	shalt  }
0x5e: {  	_ =	shalt  }
0x5f: {  	_ =	shalt  }
0x60: {  	_ =	shalt  }
0x61: {  	_ =	shalt  }
0x62: {  	_ =	shalt  }
0x63: {  	_ =	shalt  }
0x64: {  	_ =	shalt  }
0x65: {  	_ =	shalt  }
0x66: {  	_ =	shalt  }
0x67: {  	_ =	shalt  }
0x68: {  	_ =	shalt  }
0x69: {  	_ =	shalt  }
0x6a: {  	_ =	shalt  }
0x6b: {  	_ =	shalt  }
0x6c: {  	_ =	shalt  }
0x6d: {  	_ =	shalt  }
0x6e: {  	_ =	shalt  }
0x6f: {  	_ =	shalt  }
0x70: {  	_ =	shalt  }
0x71: {  	_ =	shalt  }
0x72: {  	_ =	shalt  }
0x73: {  	_ =	shalt  }
0x74: {  	_ =	shalt  }
0x75: {  	_ =	shalt  }
0x76: {  	_ =	shalt  }
0x77: {  	_ =	shalt  }
0x78: {  	_ =	shalt  }
0x79: {  	_ =	shalt  }
0x7a: {  	_ =	shalt  }
0x7b: {  	_ =	shalt  }
0x7c: {  	_ =	shalt  }
0x7d: {  	_ =	shalt  }
0x7e: {  	_ =	shalt  }
0x7f: {  	_ =	shalt  }
0x80: {  	_ =	shalt  }
0x81: {  	_ =	shalt  }
0x82: {  	_ =	shalt  }
0x83: {  	_ =	shalt  }
0x84: {  	_ =	shalt  }
0x85: {  	_ =	shalt  }
0x86: {  	_ =	shalt  }
0x87: {  	_ =	shalt  }
.Lfunc_end0:
.L_simem_size_0:
called_computation_lowered:
.L_overlay_start_0:
0x88: {  	s2 =	sld [smem:$0x3FD9]  }
0x89: {  	s3 =	sld [smem:$0x3FFE];
	_ =	sdelay $0x1  }
0x8a: {  	s1 =	srdreg.scid  }
0x8b: {  	s0 =	sand.u32 $0x1, s1  }
0x8c: {  	s16 =	sshll.u32 s0, $0xA;
	s2 =	sadd.s32 s3, s2  }
0x8d: {  	s2 =	sadd.s32 s2, s16  }
0x8e: {  	[smem:$0x3FC2] =	sst s2  }
0x8f: {  	_ = 	snop  }
0x90: {  	(tm) =	ssettm $0x1  }
0x91: {  	s17 =	sld [smem:$0x3FFB];
	_ =	sdelay $0x3  }
0x92: {  	_ =	strace s17  }
0x93: {  	s2 =	sld [smem:$0x3FFC];
	_ =	sdelay $0x3  }
0x94: {  	_ =	strace s2  }
0x95: {  	s2 =	sld [smem:$0x3FFD];
	_ =	sdelay $0x3  }
0x96: {  	_ =	strace s2  }
0x97: {  	_ =	strace $0x8FFFFFFF  }
0x98: {  	s18 =	sld [smem:$0x3FDB];
	_ =	sdelay $0x1  }
0x99: {  	s19 =	simm.s32 $_scs_section_size  }
0x9a: {  	s4 =	simm.s32 $_size__tile_overlayer_lowered;
	s5 =	simm.s32 $_tile_overlayer_lowered  }
0x9b: {  	s22 =	simm.s32 $0x1BFF;
	s21 =	sshll.u32 s5, $0x1;
	s2 =	sadd.s32 s19, s18  }
0x9c: {  	s6 =	simm.s32 $0x0;
	s20 =	sshll.u32 s4, $0x1;
	s4 =	sadd.s32 s21, s2  }
0x9d: {  	[timem:s6], [sflag:s22] =	dma.local [hbm:s4], s20  }
0x9e: {  	_ =	swait.ge [sflag:s22], s20  }
0x9f: {  	s3 =	ssub.s32 $0x0, s20;
	[sflag:s22] =	ssyncset.done $0x0  }
0xa0: {  	[sflag:s22] =	ssyncadd.s32 s3;
	_ =	sdelay $0x1  }
0xa1: {  	s23 =	simm.s32 $0x1B8B  }
0xa2: {  	_ =	swait.ge [sflag:s23], $0x1  }
0xa3: {  	[sflag:s23] =	ssyncset.done $0x0  }
0xa4: {  	s25 =	simm.s32 $0x1B8E;
	s24 =	sld [smem:$0x3FFE];
	[sflag:s23] =	ssyncadd.s32 $0xFFFFFFFF  }
0xa5: {  	s26 =	simm.s32 $execute0_lowered;
	[smem:$0x3FD2] =	sst s25  }
0xa6: {  	s4 =	sshll.u32 s26, $0x1;
	_ =	strace $0x80000046;
	[dreg:$0x1] =	wrdreg $0xFFFFFFFF  }
0xa7: {  	s28 =	simm.s32 $_size_execute0_lowered;
	s2 =	sadd.s32 s2, s4;
	[dreg:$0x0] =	wrdreg $0x0  }
0xa8: {  	s4 =	sshll.u32 s28, $0x1;
	[dreg:$0x2] =	wrdreg s2  }
0xa9: {  	[dreg:$0x3] =	wrdreg s4  }
0xaa: {  	[dreg:$0x4] =	wrdreg $0xC0  }
0xab: {  	_ =	task [dreg:s6], $0x5FFFF  }
0xac: {  	[dreg:$0x1] =	wrdreg $0xFFFFFFFF  }
0xad: {  	[dreg:$0x0] =	wrdreg $0x60  }
0xae: {  	[dreg:$0x2] =	wrdreg s24  }
0xaf: {  	[dreg:$0x3] =	wrdreg $0x3800  }
0xb0: {  	[dreg:$0x4] =	wrdreg $0x9  }
0xb1: {  	_ =	task.clear_ibuf [dreg:s6], $0x5FFFF;
	_ =	strace $0x90000046  }
0xb2: {  	s29 =	simm.s32 $0x9;
	_ =	strace $0x80000048  }
0xb3: {  	_ =	swait.ge [sflag:s29], $0x1  }
0xb4: {  	[sflag:s29] =	ssyncadd.s32 $0xFFFFFFFF  }
0xb5: {  	_ =	strace $0x90000048  }
0xb6: {  	_ =	sfence  }
0xb7: {  	s30 =	sld [smem:$0x0];
	_ =	sdelay $0x2  }
0xb8: {  	s31 =	sshll.u32 s1, $0xD;
	s1 =	sshrl.u32 s1, $0x2  }
0xb9: {  	s3 =	sand.u32 $0x4000, s31;
	s1 =	sadd.s32 s1, s30  }
0xba: {  	s0 =	sor.u32 s3, s0;
	s1 =	sshll.u32 s1, $0x11  }
0xbb: {  	s0 =	sor.u32 s1, s0  }
0xbc: {  	s0 =	sadd.s32 $0x8F2B, s0  }
0xbd: {  	[sflag:s0] =	ssyncadd.remote.s32 $0x1  }
0xbe: {  	_ =	sfence.sel $0xFFFF  }
0xbf: {  	[dreg:$0x0] =	wrdreg $0xFFFFFFFF;
	(pc) =	sbr.abs _section_cstart, $3  }
0xc0: {  	[dreg:$0x1] =	wrdreg $0xFFFFFFFF  }
0xc1: {  	_ =	task.clear_ibuf [dreg:s6], $0x2FFFF;
	_ =	strace $0x9FFFFFFF  }
0xc2: {  	(tm) =	ssettm $0x7FFFFFFF  }
0xc3: {  	_ =	shalt  }
tec
execute0_lowered:
.L_overlay_start_1:
0x0: {  	(tag) =	ssettag $0x1  }
0x1: {  	s4 =	rddreg [dreg:$0x0]  }
0x2: {  	s2 =	rddreg [dreg:$0x1]  }
0x3: {  	s0 =	rddreg [dreg:$0x2]  }
0x4: {  	s1 =	stileid.u32;
	s3 =	simm.s32 $0x0;
	s6 =	srdreg.scid  }
0x5: {  	s10 =	simm.s32 $0x80;
	s13 =	simm.s32 $0x20;
	s5 =	smul.u32 $0x9E0, s1  }
0x6: {  	s14 =	simm.s32 $0x10;
	s15 =	simm.s32 $0x0;
	s7 =	smul.u32 $0x500, s1  }
0x7: {  	[smem:$0x7FF] =	sst s3;
	s6 =	sand.u32 $0x1, s6;
	s29 =	smul.u32 $0xA00, s1  }
0x8: {  	s11 =	sshll.u32 s1, $0x6;
	_ =	strace $0x80000047;
	s8 =	sshll.u32 s6, $0x7  }
0x9: {  	s9 =	ssub.s32 $0x2, s6;
	s6 =	smul.u32 $0x4F0, s6;
	s11 =	sor.u32 $0x1C01, s11  }
0xa: {  	s5 =	sadd.s32 s5, s4;
	s7 =	sor.u32 s8, s7;
	s30 =	sshrl.u32 s9, $0x1  }
0xb: {  	s8 =	sshrl.u32 s29, $0x2;
	s7 =	sshrl.u32 s7, $0x3;
	s9 =	ssub.s32 s9, s30  }
0xc: {  	s31 =	sadd.s32 s6, s5;
	s7 =	sadd.s32 s7, s4;
	s4 =	sadd.s32 s8, s2  }
0xd: {  	s6 =	smax.u32 s9, $0x1;
	s8 =	simm.s32 $0x100;
	s9 =	simm.s32 $0x1  }
0xe: {  	v0 =	vimm.f32 $1.000000000e+00;
	v1 =	vimm.f32 $0.0e+00;
	s5 =	sadd.s32 $0xC600, s7;
	s7 =	sadd.s32 $0x2800, s31;
	s12 =	sshrl.u32 s4, $0x3  }
.LBB2_1:
0xf: {  	[tilespmem:$0x80] =	vst v0  }
0x10: {  	[tilespmem:$0x90] =	vst v0  }
0x11: {  	[tilespmem:$0xA0] =	vst v0  }
0x12: {  	[tilespmem:$0xB0] =	vst v0  }
0x13: {  	[tilespmem:$0xC0] =	vst v0  }
0x14: {  	[tilespmem:$0xD0] =	vst v0  }
0x15: {  	[tilespmem:$0xE0] =	vst v0  }
0x16: {  	[tilespmem:$0xF0] =	vst v0  }
0x17: {  	[tilespmem:$0x100] =	vst v1  }
0x18: {  	[tilespmem:$0x110] =	vst v1  }
0x19: {  	[tilespmem:$0x120] =	vst v1  }
0x1a: {  	[tilespmem:$0x130] =	vst v1  }
0x1b: {  	[tilespmem:$0x140] =	vst v1  }
0x1c: {  	[tilespmem:$0x150] =	vst v1  }
0x1d: {  	[tilespmem:$0x160] =	vst v1  }
0x1e: {  	[tilespmem:$0x170] =	vst v1  }
0x1f: {  	[tilespmem:$0x180] =	vst v1  }
0x20: {  	[tilespmem:$0x190] =	vst v1  }
0x21: {  	[tilespmem:$0x1A0] =	vst v1  }
0x22: {  	[tilespmem:$0x1B0] =	vst v1  }
0x23: {  	[tilespmem:$0x1C0] =	vst v1  }
0x24: {  	[tilespmem:$0x1D0] =	vst v1  }
0x25: {  	[tilespmem:$0x1E0] =	vst v1  }
0x26: {  	[tilespmem:$0x1F0] =	vst v1  }
0x27: {  	[tilespmem:$0x200] =	vst v1  }
0x28: {  	[tilespmem:$0x210] =	vst v1  }
0x29: {  	[tilespmem:$0x220] =	vst v1  }
0x2a: {  	[tilespmem:$0x230] =	vst v1  }
0x2b: {  	[tilespmem:$0x240] =	vst v1  }
0x2c: {  	[tilespmem:$0x250] =	vst v1  }
0x2d: {  	[tilespmem:$0x260] =	vst v1  }
0x2e: {  	[tilespmem:$0x270] =	vst v1  }
0x2f: {  	[tilespmem:$0x280] =	vst v1  }
0x30: {  	[tilespmem:$0x290] =	vst v1  }
0x31: {  	[tilespmem:$0x2A0] =	vst v1  }
0x32: {  	[tilespmem:$0x2B0] =	vst v1  }
0x33: {  	[tilespmem:$0x2C0] =	vst v1  }
0x34: {  	[tilespmem:$0x2D0] =	vst v1  }
0x35: {  	[tilespmem:$0x2E0] =	vst v1  }
0x36: {  	[tilespmem:$0x2F0] =	vst v1  }
0x37: {  	[tilespmem:$0x300] =	vst v1  }
0x38: {  	[tilespmem:$0x310] =	vst v1  }
0x39: {  	[tilespmem:$0x320] =	vst v1  }
0x3a: {  	[tilespmem:$0x330] =	vst v1  }
0x3b: {  	[tilespmem:$0x340] =	vst v1  }
0x3c: {  	[tilespmem:$0x350] =	vst v1  }
0x3d: {  	[tilespmem:$0x360] =	vst v1  }
0x3e: {  	[tilespmem:$0x370] =	vst v1  }
0x3f: {  	[spmem:s4] =	stream.linear.scatter [tilespmem:s8], [sflag:$0x1], $0x280, $0x38;
	[tilespmem:$0x600] =	vst v63  }
0x40: {  	_ =	swait.ge [sflag:s9], $0x280  }
0x41: {  	[sflag:s9] =	ssyncset.done $0x0  }
0x42: {  	[sflag:s9] =	ssyncadd.s32 $0xFFFFFD80  }
0x43: {  	s16 =	sadd.s32 $0x0, s7;
	[bflag:$0x0] =	sbarrier.arrive $0xFFFF  }
0x44: {  	[tilespmem:s3], [sflag:$0x1] =	stream.linear.gather [hbm4b:s16+s3], $0x80, $0x38;
	[tilespmem:$0x600] =	vst v63  }
0x45: {  	_ =	swait.ge [sflag:s9], $0x80  }
0x46: {  	[sflag:s9] =	ssyncset.done $0x0  }
0x47: {  	[sflag:s9] =	ssyncadd.s32 $0xFFFFFF80  }
0x48: {  	[spmem:s2] =	stream.indirect.scatter.add.f32 [tilespmem:s10], [sflag:$0x1], $0x1, s3, s10, $0xb8;
	[tilespmem:$0x600] =	vst v63  }
0x49: {  	_ =	swait.ge [sflag:s9], $0x80  }
0x4a: {  	s17 =	simm.s32 $0x20;
	s16 =	simm.s32 $0x10;
	[sflag:s9] =	ssyncset.done $0x0  }
.LBB2_2:
0x4b: {  	s18 =	sadd.s32 s16, s7  }
0x4c: {  	[sflag:s9] =	ssyncadd.s32 $0xFFFFFF80;
	s16 =	smov.u32 s17;
	s19 =	sadd.s32 $0x10, s17  }
0x4d: {  	[tilespmem:s3], [sflag:$0x1] =	stream.linear.gather [hbm4b:s18+s3], $0x80, $0x38;
	[tilespmem:$0x600] =	vst v63  }
0x4e: {  	p0 =	sne.s32 s17, $0x4E0;
	_ =	swait.ge [sflag:s9], $0x80  }
.Ltmp0:
0x4f: {  	[sflag:s9] =	ssyncset.done $0x0;
	(pc) =	sbr.rel @p0 .LBB2_2-.Ltmp0, $4  }
0x50: {  	[sflag:s9] =	ssyncadd.s32 $0xFFFFFF80  }
0x51: {  	[spmem:s2] =	stream.indirect.scatter.add.f32 [tilespmem:s10], [sflag:$0x1], $0x1, s3, s10, $0xb8;
	[tilespmem:$0x600] =	vst v63  }
0x52: {  	_ =	swait.ge [sflag:s9], $0x80  }
0x53: {  	s17 =	smov.u32 s19;
	[sflag:s9] =	ssyncset.done $0x0  }
0x54: {  	s16 =	sadd.s32 s16, s7;
	[sflag:s9] =	ssyncadd.s32 $0xFFFFFF80  }
0x55: {  	[tilespmem:s3], [sflag:$0x1] =	stream.linear.gather [hbm4b:s16+s3], $0x80, $0x38;
	[tilespmem:$0x600] =	vst v63  }
0x56: {  	_ =	swait.ge [sflag:s9], $0x80  }
0x57: {  	[sflag:s9] =	ssyncset.done $0x0  }
0x58: {  	[sflag:s9] =	ssyncadd.s32 $0xFFFFFF80  }
0x59: {  	[spmem:s2] =	stream.indirect.scatter.add.f32 [tilespmem:s10], [sflag:$0x1], $0x1, s3, s10, $0xb8;
	[tilespmem:$0x600] =	vst v63  }
0x5a: {  	_ =	swait.ge [sflag:s9], $0x80  }
0x5b: {  	s15 =	sadd.s32 $0x1, s15;
	[sflag:s9] =	ssyncset.done $0x0  }
0x5c: {  	p0 =	sne.s32 s15, s6;
	[sflag:s9] =	ssyncadd.s32 $0xFFFFFF80  }
.Ltmp1:
0x5d: {  	[bflag:$0x0] =	sbarrier.arrive $0xFFFF;
	(pc) =	sbr.rel @p0 .LBB2_1-.Ltmp1, $4  }
0x5e: {  	[hbm:s5@s13], [sflag:s11] =	dma.strided [spmem:s12@s14], $0x50, s9, $0x10   }
0x5f: {  	_ =	swait.ge [sflag:s9], $0x50  }
0x60: {  	[sflag:s9] =	ssyncset.done $0x0  }
0x61: {  	[sflag:s9] =	ssyncadd.s32 $0xFFFFFFB0  }
0x62: {  	_ =	sfence.sel $0x180000  }
0x63: {  	[bflag:$0x0] =	sbarrier.arrive $0xFFFF  }
0x64: {  	p0 =	sne.s32 s1, $0x0;
	_ =	strace $0x90000047  }
0x65: {  	s0 =	sadd.s32 @!p0 $0x100000, s0;
	[bflag:$0x2] =	sbarrier.arrive $0xFFFF  }
0x66: {  	[sflag:s0] =	ssyncadd.tile.s32 @!p0 $0x1;
	_ =	shalt  }
.Lfunc_end2:
_tile_overlayer_lowered:
.L_overlay_start_2:
0x67: {  	(tag) =	ssettag $0x2  }
0x68: {  	s0 =	rddreg [dreg:$0x0];
	s2 =	stileid.u32  }
0x69: {  	s1 =	rddreg [dreg:$0x1];
	p0 =	sne.s32 s2, $0x0  }
0x6a: {  	s3 =	rddreg [dreg:$0x2];
	[bflag:$0x3] =	sbarrier.arrive $0xFFFF;
	s2 =	simm.s32 @!p0 $0x1C01  }
0x6b: {  	[timem:s3], [sflag:s2] =	dma.local @!p0 [hbm:s0], s1  }
0x6c: {  	s0 =	simm.s32 @!p0 $0x1  }
0x6d: {  	_ =	swait.ge @!p0 [sflag:s0], s1  }
0x6e: {  	s1 =	ssub.s32 @!p0 $0x0, s1;
	[sflag:s0] =	ssyncset.done @!p0 $0x0  }
0x6f: {  	[sflag:s0] =	ssyncadd.s32 @!p0 s1  }
0x70: {  	[bflag:$0x3] =	sbarrier.arrive $0xFFFF  }
0x71: {  	_ =	shalt  }

</sc_bundles>
